<compile_context>
chip_gen: v7x
topology: tpu7x:2x2x1
jax: 0.10.2.dev20260603
libtpu: 0.0.44.dev20260713+nightly
codegen_flags: <defaults>
</compile_context>

<pallas_src>
import jax
import jax.numpy as jnp
from jax import lax
from jax.experimental import pallas as pl
from jax.experimental.pallas import tpu as pltpu, tpu_sc as plsc

N = 10000
E = 320000
D = 128
H = 128

CHUNK = 128
NCHUNKS = E // CHUNK
NUM_TILES = 16
CNTW = 16
BLK = 4
NBLK = 156 // BLK
ROWS_PT = N // NUM_TILES


def _sc_body(x1_hbm, x2_hbm, s1_hbm, d1_hbm, s2_hbm, d2_hbm,
             agg_out, cnt_out,
             src_blk, dst_blk, rows_a, rows_b, ones_b, zr_b,
             agg_sh, cnt_sh, gsem_a, gsem_b):
    c = lax.axis_index("c")
    s = lax.axis_index("s")

    zero16 = jnp.zeros((16,), jnp.float32)
    one16 = jnp.ones((16,), jnp.float32)

    def fill_bufs(i, carry):
        for k in range(D // 16):
            rows_a[i, pl.ds(16 * k, 16)] = zero16
            rows_b[i, pl.ds(16 * k, 16)] = zero16
        ones_b[i, pl.ds(0, 16)] = one16
        zr_b[i, pl.ds(0, 16)] = zero16
        return carry

    lax.fori_loop(0, CHUNK, fill_bufs, 0)

    for i in range(4):
        pltpu.sync_copy(rows_a, agg_sh.at[pl.ds(s * ROWS_PT + i * CHUNK, CHUNK)])
        pltpu.sync_copy(zr_b, cnt_sh.at[pl.ds(s * ROWS_PT + i * CHUNK, CHUNK)])
    rem = ROWS_PT - 4 * CHUNK
    pltpu.sync_copy(rows_b.at[pl.ds(0, rem)],
                    agg_sh.at[pl.ds(s * ROWS_PT + 4 * CHUNK, rem)])
    pltpu.sync_copy(zr_b.at[pl.ds(0, rem)],
                    cnt_sh.at[pl.ds(s * ROWS_PT + 4 * CHUNK, rem)])

    plsc.subcore_barrier()

    base = s * NCHUNKS // NUM_TILES
    count = (s + 1) * NCHUNKS // NUM_TILES - base

    def run_branch(x_hbm, src_hbm, dst_hbm):
        def gather(buf, idx_row, sem):
            return pltpu.async_copy(x_hbm.at[src_blk.at[idx_row]], buf, sem)

        def gather_wait(buf, idx_row, sem):
            pltpu.make_async_copy(x_hbm.at[src_blk.at[idx_row]], buf, sem).wait()

        def scatter(buf, idx_row):
            pltpu.sync_copy(buf, agg_sh.at[dst_blk.at[idx_row]], add=True)
            pltpu.sync_copy(ones_b, cnt_sh.at[dst_blk.at[idx_row]], add=True)

        pltpu.sync_copy(src_hbm.at[pl.ds(base, BLK)], src_blk)
        pltpu.sync_copy(dst_hbm.at[pl.ds(base, BLK)], dst_blk)
        gather(rows_a, 0, gsem_a)

        def block_body(b, carry):
            for p in range(BLK // 2):
                j0, j1 = 2 * p, 2 * p + 1
                gather_wait(rows_a, j0, gsem_a)
                gather(rows_b, j1, gsem_b)
                scatter(rows_a, j0)
                gather_wait(rows_b, j1, gsem_b)
                if p < BLK // 2 - 1:
                    gather(rows_a, j0 + 2, gsem_a)
                    scatter(rows_b, j1)
                else:
                    @pl.when(b < NBLK - 1)
                    def _refill():
                        pltpu.sync_copy(
                            src_hbm.at[pl.ds(base + (b + 1) * BLK, BLK)],
                            src_blk)
                        gather(rows_a, 0, gsem_a)

                    scatter(rows_b, j1)

            @pl.when(b < NBLK - 1)
            def _restage_dst():
                pltpu.sync_copy(
                    dst_hbm.at[pl.ds(base + (b + 1) * BLK, BLK)], dst_blk)

            return carry

        lax.fori_loop(0, NBLK, block_body, 0)

        @pl.when(count == 157)
        def _extra():
            pltpu.sync_copy(src_hbm.at[pl.ds(base + 156, 1)],
                            src_blk.at[pl.ds(0, 1)])
            pltpu.sync_copy(dst_hbm.at[pl.ds(base + 156, 1)],
                            dst_blk.at[pl.ds(0, 1)])
            gather(rows_a, 0, gsem_a)
            gather_wait(rows_a, 0, gsem_a)
            scatter(rows_a, 0)

    @pl.when(c == 0)
    def _branch0():
        run_branch(x1_hbm, s1_hbm, d1_hbm)

    @pl.when(c == 1)
    def _branch1():
        run_branch(x2_hbm, s2_hbm, d2_hbm)

    plsc.subcore_barrier()

    rbase = s * ROWS_PT
    pltpu.sync_copy(agg_sh.at[pl.ds(rbase, ROWS_PT)],
                    agg_out.at[pl.ds(c * N + rbase, ROWS_PT)])
    pltpu.sync_copy(cnt_sh.at[pl.ds(rbase, ROWS_PT)],
                    cnt_out.at[pl.ds(c * N + rbase, ROWS_PT)])


@jax.jit
def _sc_aggregate(x1, x2, s1, d1, s2, d2):
    mesh = plsc.VectorSubcoreMesh(core_axis_name="c", subcore_axis_name="s")
    return pl.kernel(
        _sc_body,
        out_type=[jax.ShapeDtypeStruct((2 * N, D), jnp.float32),
                  jax.ShapeDtypeStruct((2 * N, CNTW), jnp.float32)],
        mesh=mesh,
        compiler_params=pltpu.CompilerParams(use_tc_tiling_on_sc=False),
        scratch_types=[
            pltpu.VMEM((BLK, CHUNK), jnp.int32),
            pltpu.VMEM((BLK, CHUNK), jnp.int32),
            pltpu.VMEM((CHUNK, D), jnp.float32),
            pltpu.VMEM((CHUNK, D), jnp.float32),
            pltpu.VMEM((CHUNK, CNTW), jnp.float32),
            pltpu.VMEM((CHUNK, CNTW), jnp.float32),
            pltpu.VMEM_SHARED((N, D), jnp.float32),
            pltpu.VMEM_SHARED((N, CNTW), jnp.float32),
            pltpu.SemaphoreType.DMA,
            pltpu.SemaphoreType.DMA,
        ],
    )(x1, x2, s1, d1, s2, d2)


def _tc_body(agg_ref, cnt_ref, w_ref, out_ref):
    w = w_ref[...]
    embs = []
    for c in range(2):
        a = agg_ref[c * N:(c + 1) * N, :]
        deg = cnt_ref[c * N:(c + 1) * N, 0:1]
        a = a / jnp.maximum(deg, 1.0)
        h = jnp.maximum(
            jax.lax.dot(a, w, preferred_element_type=jnp.float32), 0.0)
        embs.append(jnp.sum(h, axis=0, keepdims=True) / float(N))
    out_ref[...] = jnp.sum(embs[0] * embs[1]).reshape(1, 1)


@jax.jit
def _tc_finish(agg, cnt, W):
    return pl.pallas_call(
        _tc_body,
        out_shape=jax.ShapeDtypeStruct((1, 1), jnp.float32),
    )(agg, cnt, W)


def kernel(x1, x2, W, edge_index1, edge_index2):
    s1 = edge_index1[0].reshape(NCHUNKS, CHUNK)
    d1 = edge_index1[1].reshape(NCHUNKS, CHUNK)
    s2 = edge_index2[0].reshape(NCHUNKS, CHUNK)
    d2 = edge_index2[1].reshape(NCHUNKS, CHUNK)
    agg, cnt = _sc_aggregate(x1, x2, s1, d1, s2, d2)
    out = _tc_finish(agg, cnt, W)
    return out[0, 0]

# --- scband reference (transcript-rebuilt; emitter-appended) ---
"""Pipeline reference for scband-siamese-ranking-model-44822278701582 (READ-ONLY COPY).

The authoritative reference and input builder live on the scoring server;
editing this copy changes nothing except your own understanding.
"""

import jax, jax.numpy as jnp
import numpy as np

N = 10000
E = 320000
D = 128
H = 128


def setup_inputs(seed: int = 0) -> dict:
    key = jax.random.key(seed)
    k1, k2, k3, k4, k5 = jax.random.split(key, 5)
    x1 = jax.random.normal(k1, (N, D), dtype=jnp.float32)
    x2 = jax.random.normal(k2, (N, D), dtype=jnp.float32)
    edge_index1 = jax.random.randint(k3, (2, E), 0, N, dtype=jnp.int32)
    edge_index2 = jax.random.randint(k4, (2, E), 0, N, dtype=jnp.int32)
    W = jax.random.normal(k5, (D, H), dtype=jnp.float32) / np.sqrt(D)
    return {"x1": x1, "x2": x2, "W": W, "edge_index1": edge_index1, "edge_index2": edge_index2}


def _gcn_embed(x, edge_index, W):
    # One GraphConvolution level: mean-aggregate neighbor features over the
    # (sparse) laplacian/adjacency, linear transform, ReLU, then mean-pool
    # to a single graph-level embedding (the siamese branch output).
    src = edge_index[0]
    dst = edge_index[1]
    msgs = jnp.take(x, src, axis=0)                       # gather  [E, D]
    agg = jax.ops.segment_sum(msgs, dst, num_segments=N)  # scatter-add [N, D]
    deg = jax.ops.segment_sum(jnp.ones((E,), dtype=x.dtype), dst, num_segments=N)
    agg = agg / jnp.maximum(deg, 1.0)[:, None]
    h = jnp.maximum(agg @ W, 0.0)
    return jnp.mean(h, axis=0)                            # graph embedding [H]


def reference(x1, x2, W, edge_index1, edge_index2):
    emb1 = _gcn_embed(x1, edge_index1, W)
    emb2 = _gcn_embed(x2, edge_index2, W)
    # siamese similarity score (pred_sim_without_act): dot-product merge
    score = jnp.sum(emb1 * emb2)
    return score

if __name__ == "__main__":
    import jax
    _d = setup_inputs()
    print(jax.jit(kernel)(*tuple(_d.values())))

</pallas_src>

<mosaic_0001>
#map = affine_map<(d0, d1) -> (0, 0)>
module attributes {stable_mosaic.version = 14 : i64} {
  func.func @_sc_body(%arg0: i32, %arg1: i32, %arg2: memref<10000x128xf32, #tpu.memory_space<hbm>>, %arg3: memref<10000x128xf32, #tpu.memory_space<hbm>>, %arg4: memref<2500x128xi32, #tpu.memory_space<hbm>>, %arg5: memref<2500x128xi32, #tpu.memory_space<hbm>>, %arg6: memref<2500x128xi32, #tpu.memory_space<hbm>>, %arg7: memref<2500x128xi32, #tpu.memory_space<hbm>>, %arg8: memref<20000x128xf32, #tpu.memory_space<hbm>>, %arg9: memref<20000x16xf32, #tpu.memory_space<hbm>>, %arg10: memref<4x128xi32, #tpu.memory_space<vmem>>, %arg11: memref<4x128xi32, #tpu.memory_space<vmem>>, %arg12: memref<128x128xf32, #tpu.memory_space<vmem>>, %arg13: memref<128x128xf32, #tpu.memory_space<vmem>>, %arg14: memref<128x16xf32, #tpu.memory_space<vmem>>, %arg15: memref<128x16xf32, #tpu.memory_space<vmem>>, %arg16: memref<10000x128xf32, #tpu.memory_space<vmem_shared>>, %arg17: memref<10000x16xf32, #tpu.memory_space<vmem_shared>>, %arg18: memref<!tpu.dma_semaphore, #tpu.memory_space<semaphore_mem>>, %arg19: memref<!tpu.dma_semaphore, #tpu.memory_space<semaphore_mem>>) attributes {dimension_semantics = [#tpu.dimension_semantics<core_parallel>, #tpu.dimension_semantics<subcore_parallel>], iteration_bounds = array<i64: 2, 16>, scalar_prefetch = 0 : i64, scratch_operands = 10 : i64, tpu.core_type = #tpu.core_type<sc_vector_subcore>, window_params = [{transform_indices = #map}, {transform_indices = #map}, {transform_indices = #map}, {transform_indices = #map}, {transform_indices = #map}, {transform_indices = #map}, {transform_indices = #map}, {transform_indices = #map}]} {
    %broadcast_in_dim3A = arith.constant 0.000000e+00 : f32
    %broadcast_in_dim3A_0 = vector.broadcast %broadcast_in_dim3A : f32 to vector<16xf32>
    %broadcast_in_dim3A_1 = arith.constant 1.000000e+00 : f32
    %broadcast_in_dim3A_2 = vector.broadcast %broadcast_in_dim3A_1 : f32 to vector<16xf32>
    %scan3A = arith.constant 0 : i32
    %scan3A_3 = arith.constant 0 : i32
    %scan3A_4 = arith.constant 128 : i32
    %scan3A_5 = arith.addi %scan3A_3, %scan3A_4 : i32
    %scan3A_6 = arith.constant 1 : i32
    scf.for %scan3A_109 = %scan3A_3 to %scan3A_5 step %scan3A_6  : i32 {
      %swap3A = arith.index_cast %scan3A_109 : i32 to index
      %swap3A_110 = arith.constant 0 : index
      %swap3A_111 = tpu.vector_load %arg12[%swap3A, %swap3A_110] {strides = array<i32>} : memref<128x128xf32, #tpu.memory_space<vmem>>, vector<1x16xf32>,
      %swap3A_112 = vector.shape_cast %swap3A_111 : vector<1x16xf32> to vector<16xf32>
      %swap3A_113 = vector.shape_cast %broadcast_in_dim3A_0 : vector<16xf32> to vector<1x16xf32>
      tpu.vector_store %arg12[%swap3A, %swap3A_110], %swap3A_113 {strides = array<i32>} : memref<128x128xf32, #tpu.memory_space<vmem>>, vector<1x16xf32>,
      %swap3A_114 = arith.index_cast %scan3A_109 : i32 to index
      %swap3A_115 = arith.constant 0 : index
      %swap3A_116 = tpu.vector_load %arg13[%swap3A_114, %swap3A_115] {strides = array<i32>} : memref<128x128xf32, #tpu.memory_space<vmem>>, vector<1x16xf32>,
      %swap3A_117 = vector.shape_cast %swap3A_116 : vector<1x16xf32> to vector<16xf32>
      %swap3A_118 = vector.shape_cast %broadcast_in_dim3A_0 : vector<16xf32> to vector<1x16xf32>
      tpu.vector_store %arg13[%swap3A_114, %swap3A_115], %swap3A_118 {strides = array<i32>} : memref<128x128xf32, #tpu.memory_space<vmem>>, vector<1x16xf32>,
      %swap3A_119 = arith.index_cast %scan3A_109 : i32 to index
      %swap3A_120 = arith.constant 16 : index
      %swap3A_121 = tpu.vector_load %arg12[%swap3A_119, %swap3A_120] {strides = array<i32>} : memref<128x128xf32, #tpu.memory_space<vmem>>, vector<1x16xf32>,
      %swap3A_122 = vector.shape_cast %swap3A_121 : vector<1x16xf32> to vector<16xf32>
      %swap3A_123 = vector.shape_cast %broadcast_in_dim3A_0 : vector<16xf32> to vector<1x16xf32>
      tpu.vector_store %arg12[%swap3A_119, %swap3A_120], %swap3A_123 {strides = array<i32>} : memref<128x128xf32, #tpu.memory_space<vmem>>, vector<1x16xf32>,
      %swap3A_124 = arith.index_cast %scan3A_109 : i32 to index
      %swap3A_125 = arith.constant 16 : index
      %swap3A_126 = tpu.vector_load %arg13[%swap3A_124, %swap3A_125] {strides = array<i32>} : memref<128x128xf32, #tpu.memory_space<vmem>>, vector<1x16xf32>,
      %swap3A_127 = vector.shape_cast %swap3A_126 : vector<1x16xf32> to vector<16xf32>
      %swap3A_128 = vector.shape_cast %broadcast_in_dim3A_0 : vector<16xf32> to vector<1x16xf32>
      tpu.vector_store %arg13[%swap3A_124, %swap3A_125], %swap3A_128 {strides = array<i32>} : memref<128x128xf32, #tpu.memory_space<vmem>>, vector<1x16xf32>,
      %swap3A_129 = arith.index_cast %scan3A_109 : i32 to index
      %swap3A_130 = arith.constant 32 : index
      %swap3A_131 = tpu.vector_load %arg12[%swap3A_129, %swap3A_130] {strides = array<i32>} : memref<128x128xf32, #tpu.memory_space<vmem>>, vector<1x16xf32>,
      %swap3A_132 = vector.shape_cast %swap3A_131 : vector<1x16xf32> to vector<16xf32>
      %swap3A_133 = vector.shape_cast %broadcast_in_dim3A_0 : vector<16xf32> to vector<1x16xf32>
      tpu.vector_store %arg12[%swap3A_129, %swap3A_130], %swap3A_133 {strides = array<i32>} : memref<128x128xf32, #tpu.memory_space<vmem>>, vector<1x16xf32>,
      %swap3A_134 = arith.index_cast %scan3A_109 : i32 to index
      %swap3A_135 = arith.constant 32 : index
      %swap3A_136 = tpu.vector_load %arg13[%swap3A_134, %swap3A_135] {strides = array<i32>} : memref<128x128xf32, #tpu.memory_space<vmem>>, vector<1x16xf32>,
      %swap3A_137 = vector.shape_cast %swap3A_136 : vector<1x16xf32> to vector<16xf32>
      %swap3A_138 = vector.shape_cast %broadcast_in_dim3A_0 : vector<16xf32> to vector<1x16xf32>
      tpu.vector_store %arg13[%swap3A_134, %swap3A_135], %swap3A_138 {strides = array<i32>} : memref<128x128xf32, #tpu.memory_space<vmem>>, vector<1x16xf32>,
      %swap3A_139 = arith.index_cast %scan3A_109 : i32 to index
      %swap3A_140 = arith.constant 48 : index
      %swap3A_141 = tpu.vector_load %arg12[%swap3A_139, %swap3A_140] {strides = array<i32>} : memref<128x128xf32, #tpu.memory_space<vmem>>, vector<1x16xf32>,
      %swap3A_142 = vector.shape_cast %swap3A_141 : vector<1x16xf32> to vector<16xf32>
      %swap3A_143 = vector.shape_cast %broadcast_in_dim3A_0 : vector<16xf32> to vector<1x16xf32>
      tpu.vector_store %arg12[%swap3A_139, %swap3A_140], %swap3A_143 {strides = array<i32>} : memref<128x128xf32, #tpu.memory_space<vmem>>, vector<1x16xf32>,
      %swap3A_144 = arith.index_cast %scan3A_109 : i32 to index
      %swap3A_145 = arith.constant 48 : index
      %swap3A_146 = tpu.vector_load %arg13[%swap3A_144, %swap3A_145] {strides = array<i32>} : memref<128x128xf32, #tpu.memory_space<vmem>>, vector<1x16xf32>,
      %swap3A_147 = vector.shape_cast %swap3A_146 : vector<1x16xf32> to vector<16xf32>
      %swap3A_148 = vector.shape_cast %broadcast_in_dim3A_0 : vector<16xf32> to vector<1x16xf32>
      tpu.vector_store %arg13[%swap3A_144, %swap3A_145], %swap3A_148 {strides = array<i32>} : memref<128x128xf32, #tpu.memory_space<vmem>>, vector<1x16xf32>,
      %swap3A_149 = arith.index_cast %scan3A_109 : i32 to index
      %swap3A_150 = arith.constant 64 : index
      %swap3A_151 = tpu.vector_load %arg12[%swap3A_149, %swap3A_150] {strides = array<i32>} : memref<128x128xf32, #tpu.memory_space<vmem>>, vector<1x16xf32>,
      %swap3A_152 = vector.shape_cast %swap3A_151 : vector<1x16xf32> to vector<16xf32>
      %swap3A_153 = vector.shape_cast %broadcast_in_dim3A_0 : vector<16xf32> to vector<1x16xf32>
      tpu.vector_store %arg12[%swap3A_149, %swap3A_150], %swap3A_153 {strides = array<i32>} : memref<128x128xf32, #tpu.memory_space<vmem>>, vector<1x16xf32>,
      %swap3A_154 = arith.index_cast %scan3A_109 : i32 to index
      %swap3A_155 = arith.constant 64 : index
      %swap3A_156 = tpu.vector_load %arg13[%swap3A_154, %swap3A_155] {strides = array<i32>} : memref<128x128xf32, #tpu.memory_space<vmem>>, vector<1x16xf32>,
      %swap3A_157 = vector.shape_cast %swap3A_156 : vector<1x16xf32> to vector<16xf32>
      %swap3A_158 = vector.shape_cast %broadcast_in_dim3A_0 : vector<16xf32> to vector<1x16xf32>
      tpu.vector_store %arg13[%swap3A_154, %swap3A_155], %swap3A_158 {strides = array<i32>} : memref<128x128xf32, #tpu.memory_space<vmem>>, vector<1x16xf32>,
      %swap3A_159 = arith.index_cast %scan3A_109 : i32 to index
      %swap3A_160 = arith.constant 80 : index
      %swap3A_161 = tpu.vector_load %arg12[%swap3A_159, %swap3A_160] {strides = array<i32>} : memref<128x128xf32, #tpu.memory_space<vmem>>, vector<1x16xf32>,
      %swap3A_162 = vector.shape_cast %swap3A_161 : vector<1x16xf32> to vector<16xf32>
      %swap3A_163 = vector.shape_cast %broadcast_in_dim3A_0 : vector<16xf32> to vector<1x16xf32>
      tpu.vector_store %arg12[%swap3A_159, %swap3A_160], %swap3A_163 {strides = array<i32>} : memref<128x128xf32, #tpu.memory_space<vmem>>, vector<1x16xf32>,
      %swap3A_164 = arith.index_cast %scan3A_109 : i32 to index
      %swap3A_165 = arith.constant 80 : index
      %swap3A_166 = tpu.vector_load %arg13[%swap3A_164, %swap3A_165] {strides = array<i32>} : memref<128x128xf32, #tpu.memory_space<vmem>>, vector<1x16xf32>,
      %swap3A_167 = vector.shape_cast %swap3A_166 : vector<1x16xf32> to vector<16xf32>
      %swap3A_168 = vector.shape_cast %broadcast_in_dim3A_0 : vector<16xf32> to vector<1x16xf32>
      tpu.vector_store %arg13[%swap3A_164, %swap3A_165], %swap3A_168 {strides = array<i32>} : memref<128x128xf32, #tpu.memory_space<vmem>>, vector<1x16xf32>,
      %swap3A_169 = arith.index_cast %scan3A_109 : i32 to index
      %swap3A_170 = arith.constant 96 : index
      %swap3A_171 = tpu.vector_load %arg12[%swap3A_169, %swap3A_170] {strides = array<i32>} : memref<128x128xf32, #tpu.memory_space<vmem>>, vector<1x16xf32>,
      %swap3A_172 = vector.shape_cast %swap3A_171 : vector<1x16xf32> to vector<16xf32>
      %swap3A_173 = vector.shape_cast %broadcast_in_dim3A_0 : vector<16xf32> to vector<1x16xf32>
      tpu.vector_store %arg12[%swap3A_169, %swap3A_170], %swap3A_173 {strides = array<i32>} : memref<128x128xf32, #tpu.memory_space<vmem>>, vector<1x16xf32>,
      %swap3A_174 = arith.index_cast %scan3A_109 : i32 to index
      %swap3A_175 = arith.constant 96 : index
      %swap3A_176 = tpu.vector_load %arg13[%swap3A_174, %swap3A_175] {strides = array<i32>} : memref<128x128xf32, #tpu.memory_space<vmem>>, vector<1x16xf32>,
      %swap3A_177 = vector.shape_cast %swap3A_176 : vector<1x16xf32> to vector<16xf32>
      %swap3A_178 = vector.shape_cast %broadcast_in_dim3A_0 : vector<16xf32> to vector<1x16xf32>
      tpu.vector_store %arg13[%swap3A_174, %swap3A_175], %swap3A_178 {strides = array<i32>} : memref<128x128xf32, #tpu.memory_space<vmem>>, vector<1x16xf32>,
      %swap3A_179 = arith.index_cast %scan3A_109 : i32 to index
      %swap3A_180 = arith.constant 112 : index
      %swap3A_181 = tpu.vector_load %arg12[%swap3A_179, %swap3A_180] {strides = array<i32>} : memref<128x128xf32, #tpu.memory_space<vmem>>, vector<1x16xf32>,
      %swap3A_182 = vector.shape_cast %swap3A_181 : vector<1x16xf32> to vector<16xf32>
      %swap3A_183 = vector.shape_cast %broadcast_in_dim3A_0 : vector<16xf32> to vector<1x16xf32>
      tpu.vector_store %arg12[%swap3A_179, %swap3A_180], %swap3A_183 {strides = array<i32>} : memref<128x128xf32, #tpu.memory_space<vmem>>, vector<1x16xf32>,
      %swap3A_184 = arith.index_cast %scan3A_109 : i32 to index
      %swap3A_185 = arith.constant 112 : index
      %swap3A_186 = tpu.vector_load %arg13[%swap3A_184, %swap3A_185] {strides = array<i32>} : memref<128x128xf32, #tpu.memory_space<vmem>>, vector<1x16xf32>,
      %swap3A_187 = vector.shape_cast %swap3A_186 : vector<1x16xf32> to vector<16xf32>
      %swap3A_188 = vector.shape_cast %broadcast_in_dim3A_0 : vector<16xf32> to vector<1x16xf32>
      tpu.vector_store %arg13[%swap3A_184, %swap3A_185], %swap3A_188 {strides = array<i32>} : memref<128x128xf32, #tpu.memory_space<vmem>>, vector<1x16xf32>,
      %swap3A_189 = arith.index_cast %scan3A_109 : i32 to index
      %swap3A_190 = arith.constant 0 : index
      %swap3A_191 = tpu.vector_load %arg14[%swap3A_189, %swap3A_190] {strides = array<i32>} : memref<128x16xf32, #tpu.memory_space<vmem>>, vector<1x16xf32>,
      %swap3A_192 = vector.shape_cast %swap3A_191 : vector<1x16xf32> to vector<16xf32>
      %swap3A_193 = vector.shape_cast %broadcast_in_dim3A_2 : vector<16xf32> to vector<1x16xf32>
      tpu.vector_store %arg14[%swap3A_189, %swap3A_190], %swap3A_193 {strides = array<i32>} : memref<128x16xf32, #tpu.memory_space<vmem>>, vector<1x16xf32>,
      %swap3A_194 = arith.index_cast %scan3A_109 : i32 to index
      %swap3A_195 = arith.constant 0 : index
      %swap3A_196 = tpu.vector_load %arg15[%swap3A_194, %swap3A_195] {strides = array<i32>} : memref<128x16xf32, #tpu.memory_space<vmem>>, vector<1x16xf32>,
      %swap3A_197 = vector.shape_cast %swap3A_196 : vector<1x16xf32> to vector<16xf32>
      %swap3A_198 = vector.shape_cast %broadcast_in_dim3A_0 : vector<16xf32> to vector<1x16xf32>
      tpu.vector_store %arg15[%swap3A_194, %swap3A_195], %swap3A_198 {strides = array<i32>} : memref<128x16xf32, #tpu.memory_space<vmem>>, vector<1x16xf32>,
    }
    %scan3A_7 = arith.constant 128 : i32
    %mul3A = arith.constant 625 : i32
    %mul3A_8 = arith.muli %arg1, %mul3A : i32
    %add3A = arith.constant 0 : i32
    %add3A_9 = arith.addi %mul3A_8, %add3A : i32
    "tpu.region"() ({
      %run_scoped3A = tpu.sem_alloc : memref<!tpu.dma_semaphore, #tpu.memory_space<semaphore_mem>>
      %dma_start3A = arith.constant 0 : i32
      %dma_start3A_109 = tpu.memref_slice %arg16[%add3A_9, %dma_start3A] : memref<10000x128xf32, #tpu.memory_space<vmem_shared>> -> memref<128x128xf32, #tpu.memory_space<vmem_shared>>
      %dma_start3A_110 = arith.constant 0 : i32
      %dma_start3A_111 = tpu.memref_slice %arg16[%add3A_9, %dma_start3A_110] : memref<10000x128xf32, #tpu.memory_space<vmem_shared>> -> memref<128x128xf32, #tpu.memory_space<vmem_shared>>
      tpu.enqueue_dma source(%arg12 : memref<128x128xf32, #tpu.memory_space<vmem>>) target(%dma_start3A_111 : memref<128x128xf32, #tpu.memory_space<vmem_shared>>) target_semaphore(%run_scoped3A : memref<!tpu.dma_semaphore, #tpu.memory_space<semaphore_mem>>)
      %dma_wait3A = arith.constant 0 : i32
      %dma_wait3A_112 = tpu.memref_slice %arg16[%add3A_9, %dma_wait3A] : memref<10000x128xf32, #tpu.memory_space<vmem_shared>> -> memref<128x128xf32, #tpu.memory_space<vmem_shared>>
      %dma_wait3A_113 = arith.constant 0 : i32
      %dma_wait3A_114 = tpu.memref_slice %arg16[%add3A_9, %dma_wait3A_113] : memref<10000x128xf32, #tpu.memory_space<vmem_shared>> -> memref<128x128xf32, #tpu.memory_space<vmem_shared>>
      tpu.wait_dma2 semaphore(%run_scoped3A : memref<!tpu.dma_semaphore, #tpu.memory_space<semaphore_mem>>) src(%arg12 : memref<128x128xf32, #tpu.memory_space<vmem>>) dst(%dma_wait3A_114 : memref<128x128xf32, #tpu.memory_space<vmem_shared>>)
      tpu.yield
    }) : () -> ()
    %mul3A_10 = arith.constant 625 : i32
    %mul3A_11 = arith.muli %arg1, %mul3A_10 : i32
    %add3A_12 = arith.constant 0 : i32
    %add3A_13 = arith.addi %mul3A_11, %add3A_12 : i32
    "tpu.region"() ({
      %run_scoped3A = tpu.sem_alloc : memref<!tpu.dma_semaphore, #tpu.memory_space<semaphore_mem>>
      %dma_start3A = arith.constant 0 : i32
      %dma_start3A_109 = tpu.memref_slice %arg17[%add3A_13, %dma_start3A] : memref<10000x16xf32, #tpu.memory_space<vmem_shared>> -> memref<128x16xf32, #tpu.memory_space<vmem_shared>>
      %dma_start3A_110 = arith.constant 0 : i32
      %dma_start3A_111 = tpu.memref_slice %arg17[%add3A_13, %dma_start3A_110] : memref<10000x16xf32, #tpu.memory_space<vmem_shared>> -> memref<128x16xf32, #tpu.memory_space<vmem_shared>>
      tpu.enqueue_dma source(%arg15 : memref<128x16xf32, #tpu.memory_space<vmem>>) target(%dma_start3A_111 : memref<128x16xf32, #tpu.memory_space<vmem_shared>>) target_semaphore(%run_scoped3A : memref<!tpu.dma_semaphore, #tpu.memory_space<semaphore_mem>>)
      %dma_wait3A = arith.constant 0 : i32
      %dma_wait3A_112 = tpu.memref_slice %arg17[%add3A_13, %dma_wait3A] : memref<10000x16xf32, #tpu.memory_space<vmem_shared>> -> memref<128x16xf32, #tpu.memory_space<vmem_shared>>
      %dma_wait3A_113 = arith.constant 0 : i32
      %dma_wait3A_114 = tpu.memref_slice %arg17[%add3A_13, %dma_wait3A_113] : memref<10000x16xf32, #tpu.memory_space<vmem_shared>> -> memref<128x16xf32, #tpu.memory_space<vmem_shared>>
      tpu.wait_dma2 semaphore(%run_scoped3A : memref<!tpu.dma_semaphore, #tpu.memory_space<semaphore_mem>>) src(%arg15 : memref<128x16xf32, #tpu.memory_space<vmem>>) dst(%dma_wait3A_114 : memref<128x16xf32, #tpu.memory_space<vmem_shared>>)
      tpu.yield
    }) : () -> ()
    %mul3A_14 = arith.constant 625 : i32
    %mul3A_15 = arith.muli %arg1, %mul3A_14 : i32
    %add3A_16 = arith.constant 128 : i32
    %add3A_17 = arith.addi %mul3A_15, %add3A_16 : i32
    "tpu.region"() ({
      %run_scoped3A = tpu.sem_alloc : memref<!tpu.dma_semaphore, #tpu.memory_space<semaphore_mem>>
      %dma_start3A = arith.constant 0 : i32
      %dma_start3A_109 = tpu.memref_slice %arg16[%add3A_17, %dma_start3A] : memref<10000x128xf32, #tpu.memory_space<vmem_shared>> -> memref<128x128xf32, #tpu.memory_space<vmem_shared>>
      %dma_start3A_110 = arith.constant 0 : i32
      %dma_start3A_111 = tpu.memref_slice %arg16[%add3A_17, %dma_start3A_110] : memref<10000x128xf32, #tpu.memory_space<vmem_shared>> -> memref<128x128xf32, #tpu.memory_space<vmem_shared>>
      tpu.enqueue_dma source(%arg12 : memref<128x128xf32, #tpu.memory_space<vmem>>) target(%dma_start3A_111 : memref<128x128xf32, #tpu.memory_space<vmem_shared>>) target_semaphore(%run_scoped3A : memref<!tpu.dma_semaphore, #tpu.memory_space<semaphore_mem>>)
      %dma_wait3A = arith.constant 0 : i32
      %dma_wait3A_112 = tpu.memref_slice %arg16[%add3A_17, %dma_wait3A] : memref<10000x128xf32, #tpu.memory_space<vmem_shared>> -> memref<128x128xf32, #tpu.memory_space<vmem_shared>>
      %dma_wait3A_113 = arith.constant 0 : i32
      %dma_wait3A_114 = tpu.memref_slice %arg16[%add3A_17, %dma_wait3A_113] : memref<10000x128xf32, #tpu.memory_space<vmem_shared>> -> memref<128x128xf32, #tpu.memory_space<vmem_shared>>
      tpu.wait_dma2 semaphore(%run_scoped3A : memref<!tpu.dma_semaphore, #tpu.memory_space<semaphore_mem>>) src(%arg12 : memref<128x128xf32, #tpu.memory_space<vmem>>) dst(%dma_wait3A_114 : memref<128x128xf32, #tpu.memory_space<vmem_shared>>)
      tpu.yield
    }) : () -> ()
    %mul3A_18 = arith.constant 625 : i32
    %mul3A_19 = arith.muli %arg1, %mul3A_18 : i32
    %add3A_20 = arith.constant 128 : i32
    %add3A_21 = arith.addi %mul3A_19, %add3A_20 : i32
    "tpu.region"() ({
      %run_scoped3A = tpu.sem_alloc : memref<!tpu.dma_semaphore, #tpu.memory_space<semaphore_mem>>
      %dma_start3A = arith.constant 0 : i32
      %dma_start3A_109 = tpu.memref_slice %arg17[%add3A_21, %dma_start3A] : memref<10000x16xf32, #tpu.memory_space<vmem_shared>> -> memref<128x16xf32, #tpu.memory_space<vmem_shared>>
      %dma_start3A_110 = arith.constant 0 : i32
      %dma_start3A_111 = tpu.memref_slice %arg17[%add3A_21, %dma_start3A_110] : memref<10000x16xf32, #tpu.memory_space<vmem_shared>> -> memref<128x16xf32, #tpu.memory_space<vmem_shared>>
      tpu.enqueue_dma source(%arg15 : memref<128x16xf32, #tpu.memory_space<vmem>>) target(%dma_start3A_111 : memref<128x16xf32, #tpu.memory_space<vmem_shared>>) target_semaphore(%run_scoped3A : memref<!tpu.dma_semaphore, #tpu.memory_space<semaphore_mem>>)
      %dma_wait3A = arith.constant 0 : i32
      %dma_wait3A_112 = tpu.memref_slice %arg17[%add3A_21, %dma_wait3A] : memref<10000x16xf32, #tpu.memory_space<vmem_shared>> -> memref<128x16xf32, #tpu.memory_space<vmem_shared>>
      %dma_wait3A_113 = arith.constant 0 : i32
      %dma_wait3A_114 = tpu.memref_slice %arg17[%add3A_21, %dma_wait3A_113] : memref<10000x16xf32, #tpu.memory_space<vmem_shared>> -> memref<128x16xf32, #tpu.memory_space<vmem_shared>>
      tpu.wait_dma2 semaphore(%run_scoped3A : memref<!tpu.dma_semaphore, #tpu.memory_space<semaphore_mem>>) src(%arg15 : memref<128x16xf32, #tpu.memory_space<vmem>>) dst(%dma_wait3A_114 : memref<128x16xf32, #tpu.memory_space<vmem_shared>>)
      tpu.yield
    }) : () -> ()
    %mul3A_22 = arith.constant 625 : i32
    %mul3A_23 = arith.muli %arg1, %mul3A_22 : i32
    %add3A_24 = arith.constant 256 : i32
    %add3A_25 = arith.addi %mul3A_23, %add3A_24 : i32
    "tpu.region"() ({
      %run_scoped3A = tpu.sem_alloc : memref<!tpu.dma_semaphore, #tpu.memory_space<semaphore_mem>>
      %dma_start3A = arith.constant 0 : i32
      %dma_start3A_109 = tpu.memref_slice %arg16[%add3A_25, %dma_start3A] : memref<10000x128xf32, #tpu.memory_space<vmem_shared>> -> memref<128x128xf32, #tpu.memory_space<vmem_shared>>
      %dma_start3A_110 = arith.constant 0 : i32
      %dma_start3A_111 = tpu.memref_slice %arg16[%add3A_25, %dma_start3A_110] : memref<10000x128xf32, #tpu.memory_space<vmem_shared>> -> memref<128x128xf32, #tpu.memory_space<vmem_shared>>
      tpu.enqueue_dma source(%arg12 : memref<128x128xf32, #tpu.memory_space<vmem>>) target(%dma_start3A_111 : memref<128x128xf32, #tpu.memory_space<vmem_shared>>) target_semaphore(%run_scoped3A : memref<!tpu.dma_semaphore, #tpu.memory_space<semaphore_mem>>)
      %dma_wait3A = arith.constant 0 : i32
      %dma_wait3A_112 = tpu.memref_slice %arg16[%add3A_25, %dma_wait3A] : memref<10000x128xf32, #tpu.memory_space<vmem_shared>> -> memref<128x128xf32, #tpu.memory_space<vmem_shared>>
      %dma_wait3A_113 = arith.constant 0 : i32
      %dma_wait3A_114 = tpu.memref_slice %arg16[%add3A_25, %dma_wait3A_113] : memref<10000x128xf32, #tpu.memory_space<vmem_shared>> -> memref<128x128xf32, #tpu.memory_space<vmem_shared>>
      tpu.wait_dma2 semaphore(%run_scoped3A : memref<!tpu.dma_semaphore, #tpu.memory_space<semaphore_mem>>) src(%arg12 : memref<128x128xf32, #tpu.memory_space<vmem>>) dst(%dma_wait3A_114 : memref<128x128xf32, #tpu.memory_space<vmem_shared>>)
      tpu.yield
    }) : () -> ()
    %mul3A_26 = arith.constant 625 : i32
    %mul3A_27 = arith.muli %arg1, %mul3A_26 : i32
    %add3A_28 = arith.constant 256 : i32
    %add3A_29 = arith.addi %mul3A_27, %add3A_28 : i32
    "tpu.region"() ({
      %run_scoped3A = tpu.sem_alloc : memref<!tpu.dma_semaphore, #tpu.memory_space<semaphore_mem>>
      %dma_start3A = arith.constant 0 : i32
      %dma_start3A_109 = tpu.memref_slice %arg17[%add3A_29, %dma_start3A] : memref<10000x16xf32, #tpu.memory_space<vmem_shared>> -> memref<128x16xf32, #tpu.memory_space<vmem_shared>>
      %dma_start3A_110 = arith.constant 0 : i32
      %dma_start3A_111 = tpu.memref_slice %arg17[%add3A_29, %dma_start3A_110] : memref<10000x16xf32, #tpu.memory_space<vmem_shared>> -> memref<128x16xf32, #tpu.memory_space<vmem_shared>>
      tpu.enqueue_dma source(%arg15 : memref<128x16xf32, #tpu.memory_space<vmem>>) target(%dma_start3A_111 : memref<128x16xf32, #tpu.memory_space<vmem_shared>>) target_semaphore(%run_scoped3A : memref<!tpu.dma_semaphore, #tpu.memory_space<semaphore_mem>>)
      %dma_wait3A = arith.constant 0 : i32
      %dma_wait3A_112 = tpu.memref_slice %arg17[%add3A_29, %dma_wait3A] : memref<10000x16xf32, #tpu.memory_space<vmem_shared>> -> memref<128x16xf32, #tpu.memory_space<vmem_shared>>
      %dma_wait3A_113 = arith.constant 0 : i32
      %dma_wait3A_114 = tpu.memref_slice %arg17[%add3A_29, %dma_wait3A_113] : memref<10000x16xf32, #tpu.memory_space<vmem_shared>> -> memref<128x16xf32, #tpu.memory_space<vmem_shared>>
      tpu.wait_dma2 semaphore(%run_scoped3A : memref<!tpu.dma_semaphore, #tpu.memory_space<semaphore_mem>>) src(%arg15 : memref<128x16xf32, #tpu.memory_space<vmem>>) dst(%dma_wait3A_114 : memref<128x16xf32, #tpu.memory_space<vmem_shared>>)
      tpu.yield
    }) : () -> ()
    %mul3A_30 = arith.constant 625 : i32
    %mul3A_31 = arith.muli %arg1, %mul3A_30 : i32
    %add3A_32 = arith.constant 384 : i32
    %add3A_33 = arith.addi %mul3A_31, %add3A_32 : i32
    "tpu.region"() ({
      %run_scoped3A = tpu.sem_alloc : memref<!tpu.dma_semaphore, #tpu.memory_space<semaphore_mem>>
      %dma_start3A = arith.constant 0 : i32
      %dma_start3A_109 = tpu.memref_slice %arg16[%add3A_33, %dma_start3A] : memref<10000x128xf32, #tpu.memory_space<vmem_shared>> -> memref<128x128xf32, #tpu.memory_space<vmem_shared>>
      %dma_start3A_110 = arith.constant 0 : i32
      %dma_start3A_111 = tpu.memref_slice %arg16[%add3A_33, %dma_start3A_110] : memref<10000x128xf32, #tpu.memory_space<vmem_shared>> -> memref<128x128xf32, #tpu.memory_space<vmem_shared>>
      tpu.enqueue_dma source(%arg12 : memref<128x128xf32, #tpu.memory_space<vmem>>) target(%dma_start3A_111 : memref<128x128xf32, #tpu.memory_space<vmem_shared>>) target_semaphore(%run_scoped3A : memref<!tpu.dma_semaphore, #tpu.memory_space<semaphore_mem>>)
      %dma_wait3A = arith.constant 0 : i32
      %dma_wait3A_112 = tpu.memref_slice %arg16[%add3A_33, %dma_wait3A] : memref<10000x128xf32, #tpu.memory_space<vmem_shared>> -> memref<128x128xf32, #tpu.memory_space<vmem_shared>>
      %dma_wait3A_113 = arith.constant 0 : i32
      %dma_wait3A_114 = tpu.memref_slice %arg16[%add3A_33, %dma_wait3A_113] : memref<10000x128xf32, #tpu.memory_space<vmem_shared>> -> memref<128x128xf32, #tpu.memory_space<vmem_shared>>
      tpu.wait_dma2 semaphore(%run_scoped3A : memref<!tpu.dma_semaphore, #tpu.memory_space<semaphore_mem>>) src(%arg12 : memref<128x128xf32, #tpu.memory_space<vmem>>) dst(%dma_wait3A_114 : memref<128x128xf32, #tpu.memory_space<vmem_shared>>)
      tpu.yield
    }) : () -> ()
    %mul3A_34 = arith.constant 625 : i32
    %mul3A_35 = arith.muli %arg1, %mul3A_34 : i32
    %add3A_36 = arith.constant 384 : i32
    %add3A_37 = arith.addi %mul3A_35, %add3A_36 : i32
    "tpu.region"() ({
      %run_scoped3A = tpu.sem_alloc : memref<!tpu.dma_semaphore, #tpu.memory_space<semaphore_mem>>
      %dma_start3A = arith.constant 0 : i32
      %dma_start3A_109 = tpu.memref_slice %arg17[%add3A_37, %dma_start3A] : memref<10000x16xf32, #tpu.memory_space<vmem_shared>> -> memref<128x16xf32, #tpu.memory_space<vmem_shared>>
      %dma_start3A_110 = arith.constant 0 : i32
      %dma_start3A_111 = tpu.memref_slice %arg17[%add3A_37, %dma_start3A_110] : memref<10000x16xf32, #tpu.memory_space<vmem_shared>> -> memref<128x16xf32, #tpu.memory_space<vmem_shared>>
      tpu.enqueue_dma source(%arg15 : memref<128x16xf32, #tpu.memory_space<vmem>>) target(%dma_start3A_111 : memref<128x16xf32, #tpu.memory_space<vmem_shared>>) target_semaphore(%run_scoped3A : memref<!tpu.dma_semaphore, #tpu.memory_space<semaphore_mem>>)
      %dma_wait3A = arith.constant 0 : i32
      %dma_wait3A_112 = tpu.memref_slice %arg17[%add3A_37, %dma_wait3A] : memref<10000x16xf32, #tpu.memory_space<vmem_shared>> -> memref<128x16xf32, #tpu.memory_space<vmem_shared>>
      %dma_wait3A_113 = arith.constant 0 : i32
      %dma_wait3A_114 = tpu.memref_slice %arg17[%add3A_37, %dma_wait3A_113] : memref<10000x16xf32, #tpu.memory_space<vmem_shared>> -> memref<128x16xf32, #tpu.memory_space<vmem_shared>>
      tpu.wait_dma2 semaphore(%run_scoped3A : memref<!tpu.dma_semaphore, #tpu.memory_space<semaphore_mem>>) src(%arg15 : memref<128x16xf32, #tpu.memory_space<vmem>>) dst(%dma_wait3A_114 : memref<128x16xf32, #tpu.memory_space<vmem_shared>>)
      tpu.yield
    }) : () -> ()
    %mul3A_38 = arith.constant 625 : i32
    %mul3A_39 = arith.muli %arg1, %mul3A_38 : i32
    %add3A_40 = arith.constant 512 : i32
    %add3A_41 = arith.addi %mul3A_39, %add3A_40 : i32
    "tpu.region"() ({
      %run_scoped3A = tpu.sem_alloc : memref<!tpu.dma_semaphore, #tpu.memory_space<semaphore_mem>>
      %dma_start3A = arith.constant 0 : i32
      %dma_start3A_109 = arith.constant 0 : i32
      %dma_start3A_110 = tpu.memref_slice %arg13[%dma_start3A, %dma_start3A_109] : memref<128x128xf32, #tpu.memory_space<vmem>> -> memref<113x128xf32, #tpu.memory_space<vmem>>
      %dma_start3A_111 = arith.constant 0 : i32
      %dma_start3A_112 = tpu.memref_slice %arg16[%add3A_41, %dma_start3A_111] : memref<10000x128xf32, #tpu.memory_space<vmem_shared>> -> memref<113x128xf32, #tpu.memory_space<vmem_shared>>
      %dma_start3A_113 = arith.constant 0 : i32
      %dma_start3A_114 = tpu.memref_slice %arg16[%add3A_41, %dma_start3A_113] : memref<10000x128xf32, #tpu.memory_space<vmem_shared>> -> memref<113x128xf32, #tpu.memory_space<vmem_shared>>
      %dma_start3A_115 = arith.constant 0 : i32
      %dma_start3A_116 = arith.constant 0 : i32
      %dma_start3A_117 = tpu.memref_slice %arg13[%dma_start3A_115, %dma_start3A_116] : memref<128x128xf32, #tpu.memory_space<vmem>> -> memref<113x128xf32, #tpu.memory_space<vmem>>
      tpu.enqueue_dma source(%dma_start3A_117 : memref<113x128xf32, #tpu.memory_space<vmem>>) target(%dma_start3A_114 : memref<113x128xf32, #tpu.memory_space<vmem_shared>>) target_semaphore(%run_scoped3A : memref<!tpu.dma_semaphore, #tpu.memory_space<semaphore_mem>>)
      %dma_wait3A = arith.constant 0 : i32
      %dma_wait3A_118 = arith.constant 0 : i32
      %dma_wait3A_119 = tpu.memref_slice %arg13[%dma_wait3A, %dma_wait3A_118] : memref<128x128xf32, #tpu.memory_space<vmem>> -> memref<113x128xf32, #tpu.memory_space<vmem>>
      %dma_wait3A_120 = arith.constant 0 : i32
      %dma_wait3A_121 = tpu.memref_slice %arg16[%add3A_41, %dma_wait3A_120] : memref<10000x128xf32, #tpu.memory_space<vmem_shared>> -> memref<113x128xf32, #tpu.memory_space<vmem_shared>>
      %dma_wait3A_122 = arith.constant 0 : i32
      %dma_wait3A_123 = tpu.memref_slice %arg16[%add3A_41, %dma_wait3A_122] : memref<10000x128xf32, #tpu.memory_space<vmem_shared>> -> memref<113x128xf32, #tpu.memory_space<vmem_shared>>
      %dma_wait3A_124 = arith.constant 0 : i32
      %dma_wait3A_125 = arith.constant 0 : i32
      %dma_wait3A_126 = tpu.memref_slice %arg13[%dma_wait3A_124, %dma_wait3A_125] : memref<128x128xf32, #tpu.memory_space<vmem>> -> memref<113x128xf32, #tpu.memory_space<vmem>>
      tpu.wait_dma2 semaphore(%run_scoped3A : memref<!tpu.dma_semaphore, #tpu.memory_space<semaphore_mem>>) src(%dma_wait3A_126 : memref<113x128xf32, #tpu.memory_space<vmem>>) dst(%dma_wait3A_123 : memref<113x128xf32, #tpu.memory_space<vmem_shared>>)
      tpu.yield
    }) : () -> ()
    %mul3A_42 = arith.constant 625 : i32
    %mul3A_43 = arith.muli %arg1, %mul3A_42 : i32
    %add3A_44 = arith.constant 512 : i32
    %add3A_45 = arith.addi %mul3A_43, %add3A_44 : i32
    "tpu.region"() ({
      %run_scoped3A = tpu.sem_alloc : memref<!tpu.dma_semaphore, #tpu.memory_space<semaphore_mem>>
      %dma_start3A = arith.constant 0 : i32
      %dma_start3A_109 = arith.constant 0 : i32
      %dma_start3A_110 = tpu.memref_slice %arg15[%dma_start3A, %dma_start3A_109] : memref<128x16xf32, #tpu.memory_space<vmem>> -> memref<113x16xf32, #tpu.memory_space<vmem>>
      %dma_start3A_111 = arith.constant 0 : i32
      %dma_start3A_112 = tpu.memref_slice %arg17[%add3A_45, %dma_start3A_111] : memref<10000x16xf32, #tpu.memory_space<vmem_shared>> -> memref<113x16xf32, #tpu.memory_space<vmem_shared>>
      %dma_start3A_113 = arith.constant 0 : i32
      %dma_start3A_114 = tpu.memref_slice %arg17[%add3A_45, %dma_start3A_113] : memref<10000x16xf32, #tpu.memory_space<vmem_shared>> -> memref<113x16xf32, #tpu.memory_space<vmem_shared>>
      %dma_start3A_115 = arith.constant 0 : i32
      %dma_start3A_116 = arith.constant 0 : i32
      %dma_start3A_117 = tpu.memref_slice %arg15[%dma_start3A_115, %dma_start3A_116] : memref<128x16xf32, #tpu.memory_space<vmem>> -> memref<113x16xf32, #tpu.memory_space<vmem>>
      tpu.enqueue_dma source(%dma_start3A_117 : memref<113x16xf32, #tpu.memory_space<vmem>>) target(%dma_start3A_114 : memref<113x16xf32, #tpu.memory_space<vmem_shared>>) target_semaphore(%run_scoped3A : memref<!tpu.dma_semaphore, #tpu.memory_space<semaphore_mem>>)
      %dma_wait3A = arith.constant 0 : i32
      %dma_wait3A_118 = arith.constant 0 : i32
      %dma_wait3A_119 = tpu.memref_slice %arg15[%dma_wait3A, %dma_wait3A_118] : memref<128x16xf32, #tpu.memory_space<vmem>> -> memref<113x16xf32, #tpu.memory_space<vmem>>
      %dma_wait3A_120 = arith.constant 0 : i32
      %dma_wait3A_121 = tpu.memref_slice %arg17[%add3A_45, %dma_wait3A_120] : memref<10000x16xf32, #tpu.memory_space<vmem_shared>> -> memref<113x16xf32, #tpu.memory_space<vmem_shared>>
      %dma_wait3A_122 = arith.constant 0 : i32
      %dma_wait3A_123 = tpu.memref_slice %arg17[%add3A_45, %dma_wait3A_122] : memref<10000x16xf32, #tpu.memory_space<vmem_shared>> -> memref<113x16xf32, #tpu.memory_space<vmem_shared>>
      %dma_wait3A_124 = arith.constant 0 : i32
      %dma_wait3A_125 = arith.constant 0 : i32
      %dma_wait3A_126 = tpu.memref_slice %arg15[%dma_wait3A_124, %dma_wait3A_125] : memref<128x16xf32, #tpu.memory_space<vmem>> -> memref<113x16xf32, #tpu.memory_space<vmem>>
      tpu.wait_dma2 semaphore(%run_scoped3A : memref<!tpu.dma_semaphore, #tpu.memory_space<semaphore_mem>>) src(%dma_wait3A_126 : memref<113x16xf32, #tpu.memory_space<vmem>>) dst(%dma_wait3A_123 : memref<113x16xf32, #tpu.memory_space<vmem_shared>>)
      tpu.yield
    }) : () -> ()
    %barrier3A = arith.constant 0 : index
    tpu.barrier barrier_id(%barrier3A)
    %mul3A_46 = arith.constant 2500 : i32
    %mul3A_47 = arith.muli %arg1, %mul3A_46 : i32
    %jit3A = arith.constant 16 : i32
    %div3A = arith.divsi %mul3A_47, %jit3A : i32
    %sign3A = arith.constant 0 : i32
    %sign3A_48 = arith.cmpi sgt, %mul3A_47, %sign3A : i32
    %sign3A_49 = arith.extui %sign3A_48 : i1 to i32
    %sign3A_50 = arith.constant 0 : i32
    %sign3A_51 = arith.cmpi slt, %mul3A_47, %sign3A_50 : i32
    %sign3A_52 = arith.extui %sign3A_51 : i1 to i32
    %sign3A_53 = arith.subi %sign3A_49, %sign3A_52 : i32
    %sign3A_54 = arith.constant 0 : i32
    %sign3A_55 = arith.cmpi sgt, %jit3A, %sign3A_54 : i32
    %sign3A_56 = arith.extui %sign3A_55 : i1 to i32
    %sign3A_57 = arith.constant 0 : i32
    %sign3A_58 = arith.cmpi slt, %jit3A, %sign3A_57 : i32
    %sign3A_59 = arith.extui %sign3A_58 : i1 to i32
    %sign3A_60 = arith.subi %sign3A_56, %sign3A_59 : i32
    %ne3A = arith.cmpi ne, %sign3A_53, %sign3A_60 : i32
    %rem3A = arith.remsi %mul3A_47, %jit3A : i32
    %ne3A_61 = arith.constant 0 : i32
    %ne3A_62 = arith.cmpi ne, %rem3A, %ne3A_61 : i32
    %and3A = arith.andi %ne3A, %ne3A_62 : i1
    %sub3A = arith.constant 1 : i32
    %sub3A_63 = arith.subi %div3A, %sub3A : i32
    %select_n3A = arith.select %and3A, %sub3A_63, %div3A : i32
    %add3A_64 = arith.constant 1 : i32
    %add3A_65 = arith.addi %arg1, %add3A_64 : i32
    %mul3A_66 = arith.constant 2500 : i32
    %mul3A_67 = arith.muli %add3A_65, %mul3A_66 : i32
    %jit3A_68 = arith.constant 16 : i32
    %div3A_69 = arith.divsi %mul3A_67, %jit3A_68 : i32
    %sign3A_70 = arith.constant 0 : i32
    %sign3A_71 = arith.cmpi sgt, %mul3A_67, %sign3A_70 : i32
    %sign3A_72 = arith.extui %sign3A_71 : i1 to i32
    %sign3A_73 = arith.constant 0 : i32
    %sign3A_74 = arith.cmpi slt, %mul3A_67, %sign3A_73 : i32
    %sign3A_75 = arith.extui %sign3A_74 : i1 to i32
    %sign3A_76 = arith.subi %sign3A_72, %sign3A_75 : i32
    %sign3A_77 = arith.constant 0 : i32
    %sign3A_78 = arith.cmpi sgt, %jit3A_68, %sign3A_77 : i32
    %sign3A_79 = arith.extui %sign3A_78 : i1 to i32
    %sign3A_80 = arith.constant 0 : i32
    %sign3A_81 = arith.cmpi slt, %jit3A_68, %sign3A_80 : i32
    %sign3A_82 = arith.extui %sign3A_81 : i1 to i32
    %sign3A_83 = arith.subi %sign3A_79, %sign3A_82 : i32
    %ne3A_84 = arith.cmpi ne, %sign3A_76, %sign3A_83 : i32
    %rem3A_85 = arith.remsi %mul3A_67, %jit3A_68 : i32
    %ne3A_86 = arith.constant 0 : i32
    %ne3A_87 = arith.cmpi ne, %rem3A_85, %ne3A_86 : i32
    %and3A_88 = arith.andi %ne3A_84, %ne3A_87 : i1
    %sub3A_89 = arith.constant 1 : i32
    %sub3A_90 = arith.subi %div3A_69, %sub3A_89 : i32
    %select_n3A_91 = arith.select %and3A_88, %sub3A_90, %div3A_69 : i32
    %sub3A_92 = arith.subi %select_n3A_91, %select_n3A : i32
    %eq3A = arith.constant 0 : i32
    %eq3A_93 = arith.cmpi eq, %arg0, %eq3A : i32
    %convert_element_type3A = arith.extui %eq3A_93 : i1 to i32
    %cond3A = arith.constant 0 : i32
    %cond3A_94 = arith.cmpi ne, %convert_element_type3A, %cond3A : i32
    scf.if %cond3A_94 {
      "tpu.region"() ({
        %run_scoped3A = tpu.sem_alloc : memref<!tpu.dma_semaphore, #tpu.memory_space<semaphore_mem>>
        %dma_start3A_126 = arith.constant 0 : i32
        %dma_start3A_127 = tpu.memref_slice %arg4[%select_n3A, %dma_start3A_126] : memref<2500x128xi32, #tpu.memory_space<hbm>> -> memref<4x128xi32, #tpu.memory_space<hbm>>
        %dma_start3A_128 = arith.constant 0 : i32
        %dma_start3A_129 = tpu.memref_slice %arg4[%select_n3A, %dma_start3A_128] : memref<2500x128xi32, #tpu.memory_space<hbm>> -> memref<4x128xi32, #tpu.memory_space<hbm>>
        tpu.enqueue_dma source(%dma_start3A_129 : memref<4x128xi32, #tpu.memory_space<hbm>>) target(%arg10 : memref<4x128xi32, #tpu.memory_space<vmem>>) target_semaphore(%run_scoped3A : memref<!tpu.dma_semaphore, #tpu.memory_space<semaphore_mem>>)
        %dma_wait3A = arith.constant 0 : i32
        %dma_wait3A_130 = tpu.memref_slice %arg4[%select_n3A, %dma_wait3A] : memref<2500x128xi32, #tpu.memory_space<hbm>> -> memref<4x128xi32, #tpu.memory_space<hbm>>
        %dma_wait3A_131 = arith.constant 0 : i32
        %dma_wait3A_132 = tpu.memref_slice %arg4[%select_n3A, %dma_wait3A_131] : memref<2500x128xi32, #tpu.memory_space<hbm>> -> memref<4x128xi32, #tpu.memory_space<hbm>>
        tpu.wait_dma2 semaphore(%run_scoped3A : memref<!tpu.dma_semaphore, #tpu.memory_space<semaphore_mem>>) src(%dma_wait3A_132 : memref<4x128xi32, #tpu.memory_space<hbm>>) dst(%arg10 : memref<4x128xi32, #tpu.memory_space<vmem>>)
        tpu.yield
      }) : () -> ()
      "tpu.region"() ({
        %run_scoped3A = tpu.sem_alloc : memref<!tpu.dma_semaphore, #tpu.memory_space<semaphore_mem>>
        %dma_start3A_126 = arith.constant 0 : i32
        %dma_start3A_127 = tpu.memref_slice %arg5[%select_n3A, %dma_start3A_126] : memref<2500x128xi32, #tpu.memory_space<hbm>> -> memref<4x128xi32, #tpu.memory_space<hbm>>
        %dma_start3A_128 = arith.constant 0 : i32
        %dma_start3A_129 = tpu.memref_slice %arg5[%select_n3A, %dma_start3A_128] : memref<2500x128xi32, #tpu.memory_space<hbm>> -> memref<4x128xi32, #tpu.memory_space<hbm>>
        tpu.enqueue_dma source(%dma_start3A_129 : memref<4x128xi32, #tpu.memory_space<hbm>>) target(%arg11 : memref<4x128xi32, #tpu.memory_space<vmem>>) target_semaphore(%run_scoped3A : memref<!tpu.dma_semaphore, #tpu.memory_space<semaphore_mem>>)
        %dma_wait3A = arith.constant 0 : i32
        %dma_wait3A_130 = tpu.memref_slice %arg5[%select_n3A, %dma_wait3A] : memref<2500x128xi32, #tpu.memory_space<hbm>> -> memref<4x128xi32, #tpu.memory_space<hbm>>
        %dma_wait3A_131 = arith.constant 0 : i32
        %dma_wait3A_132 = tpu.memref_slice %arg5[%select_n3A, %dma_wait3A_131] : memref<2500x128xi32, #tpu.memory_space<hbm>> -> memref<4x128xi32, #tpu.memory_space<hbm>>
        tpu.wait_dma2 semaphore(%run_scoped3A : memref<!tpu.dma_semaphore, #tpu.memory_space<semaphore_mem>>) src(%dma_wait3A_132 : memref<4x128xi32, #tpu.memory_space<hbm>>) dst(%arg11 : memref<4x128xi32, #tpu.memory_space<vmem>>)
        tpu.yield
      }) : () -> ()
      %dma_start3A = arith.constant 0 : i32
      %dma_start3A_109 = arith.constant 0 : i32
      %dma_start3A_110 = tpu.memref_slice %arg10[%dma_start3A, %dma_start3A_109] : memref<4x128xi32, #tpu.memory_space<vmem>> -> memref<1x128xi32, #tpu.memory_space<vmem>>
      %dma_start3A_111 = tpu.memref_squeeze %dma_start3A_110 : memref<1x128xi32, #tpu.memory_space<vmem>> -> memref<128xi32, #tpu.memory_space<vmem>>
      %dma_start3A_112 = arith.constant 0 : i32
      %dma_start3A_113 = arith.constant 0 : i32
      %dma_start3A_114 = tpu.memref_slice %arg2[%dma_start3A_112, %dma_start3A_113] : memref<10000x128xf32, #tpu.memory_space<hbm>> -> memref<10000x128xf32, #tpu.memory_space<hbm>>
      tpu.enqueue_indirect_dma source(%dma_start3A_114 : memref<10000x128xf32, #tpu.memory_space<hbm>>) target(%arg12 : memref<128x128xf32, #tpu.memory_space<vmem>>) offsets(%dma_start3A_111 : memref<128xi32, #tpu.memory_space<vmem>>) semaphore(%arg18 : memref<!tpu.dma_semaphore, #tpu.memory_space<semaphore_mem>>)
      %scan3A_115 = arith.constant 0 : i32
      %scan3A_116 = arith.constant 0 : i32
      %scan3A_117 = arith.constant 39 : i32
      %scan3A_118 = arith.addi %scan3A_116, %scan3A_117 : i32
      %scan3A_119 = arith.constant 1 : i32
      scf.for %scan3A_126 = %scan3A_116 to %scan3A_118 step %scan3A_119  : i32 {
        %dma_wait3A = arith.constant 0 : i32
        %dma_wait3A_127 = arith.constant 0 : i32
        %dma_wait3A_128 = tpu.memref_slice %arg10[%dma_wait3A, %dma_wait3A_127] : memref<4x128xi32, #tpu.memory_space<vmem>> -> memref<1x128xi32, #tpu.memory_space<vmem>>
        %dma_wait3A_129 = tpu.memref_squeeze %dma_wait3A_128 : memref<1x128xi32, #tpu.memory_space<vmem>> -> memref<128xi32, #tpu.memory_space<vmem>>
        %dma_wait3A_130 = arith.constant 0 : i32
        %dma_wait3A_131 = arith.constant 0 : i32
        %dma_wait3A_132 = tpu.memref_slice %arg2[%dma_wait3A_130, %dma_wait3A_131] : memref<10000x128xf32, #tpu.memory_space<hbm>> -> memref<10000x128xf32, #tpu.memory_space<hbm>>
        tpu.wait_indirect_dma semaphore(%arg18 : memref<!tpu.dma_semaphore, #tpu.memory_space<semaphore_mem>>) src(%dma_wait3A_132 : memref<10000x128xf32, #tpu.memory_space<hbm>>) dst(%arg12 : memref<128x128xf32, #tpu.memory_space<vmem>>)
        %dma_start3A_133 = arith.constant 1 : i32
        %dma_start3A_134 = arith.constant 0 : i32
        %dma_start3A_135 = tpu.memref_slice %arg10[%dma_start3A_133, %dma_start3A_134] : memref<4x128xi32, #tpu.memory_space<vmem>> -> memref<1x128xi32, #tpu.memory_space<vmem>>
        %dma_start3A_136 = tpu.memref_squeeze %dma_start3A_135 : memref<1x128xi32, #tpu.memory_space<vmem>> -> memref<128xi32, #tpu.memory_space<vmem>>
        %dma_start3A_137 = arith.constant 0 : i32
        %dma_start3A_138 = arith.constant 0 : i32
        %dma_start3A_139 = tpu.memref_slice %arg2[%dma_start3A_137, %dma_start3A_138] : memref<10000x128xf32, #tpu.memory_space<hbm>> -> memref<10000x128xf32, #tpu.memory_space<hbm>>
        tpu.enqueue_indirect_dma source(%dma_start3A_139 : memref<10000x128xf32, #tpu.memory_space<hbm>>) target(%arg13 : memref<128x128xf32, #tpu.memory_space<vmem>>) offsets(%dma_start3A_136 : memref<128xi32, #tpu.memory_space<vmem>>) semaphore(%arg19 : memref<!tpu.dma_semaphore, #tpu.memory_space<semaphore_mem>>)
        %run_scoped3A = arith.constant 0 : i32
        "tpu.region"() ({
          %run_scoped3A_191 = tpu.sem_alloc : memref<!tpu.dma_semaphore, #tpu.memory_space<semaphore_mem>>
          %dma_start3A_192 = arith.constant 0 : i32
          %dma_start3A_193 = tpu.memref_slice %arg11[%run_scoped3A, %dma_start3A_192] : memref<4x128xi32, #tpu.memory_space<vmem>> -> memref<1x128xi32, #tpu.memory_space<vmem>>
          %dma_start3A_194 = tpu.memref_squeeze %dma_start3A_193 : memref<1x128xi32, #tpu.memory_space<vmem>> -> memref<128xi32, #tpu.memory_space<vmem>>
          %dma_start3A_195 = arith.constant 0 : i32
          %dma_start3A_196 = arith.constant 0 : i32
          %dma_start3A_197 = tpu.memref_slice %arg16[%dma_start3A_195, %dma_start3A_196] : memref<10000x128xf32, #tpu.memory_space<vmem_shared>> -> memref<10000x128xf32, #tpu.memory_space<vmem_shared>>
          tpu.enqueue_indirect_dma source(%arg12 : memref<128x128xf32, #tpu.memory_space<vmem>>) target(%dma_start3A_197 : memref<10000x128xf32, #tpu.memory_space<vmem_shared>>) offsets(%dma_start3A_194 : memref<128xi32, #tpu.memory_space<vmem>>) semaphore(%run_scoped3A_191 : memref<!tpu.dma_semaphore, #tpu.memory_space<semaphore_mem>>) {add = true}
          %dma_wait3A_198 = arith.constant 0 : i32
          %dma_wait3A_199 = tpu.memref_slice %arg11[%run_scoped3A, %dma_wait3A_198] : memref<4x128xi32, #tpu.memory_space<vmem>> -> memref<1x128xi32, #tpu.memory_space<vmem>>
          %dma_wait3A_200 = tpu.memref_squeeze %dma_wait3A_199 : memref<1x128xi32, #tpu.memory_space<vmem>> -> memref<128xi32, #tpu.memory_space<vmem>>
          %dma_wait3A_201 = arith.constant 0 : i32
          %dma_wait3A_202 = arith.constant 0 : i32
          %dma_wait3A_203 = tpu.memref_slice %arg16[%dma_wait3A_201, %dma_wait3A_202] : memref<10000x128xf32, #tpu.memory_space<vmem_shared>> -> memref<10000x128xf32, #tpu.memory_space<vmem_shared>>
          tpu.wait_indirect_dma semaphore(%run_scoped3A_191 : memref<!tpu.dma_semaphore, #tpu.memory_space<semaphore_mem>>) src(%arg12 : memref<128x128xf32, #tpu.memory_space<vmem>>) dst(%dma_wait3A_203 : memref<10000x128xf32, #tpu.memory_space<vmem_shared>>)
          tpu.yield
        }) : () -> ()
        %run_scoped3A_140 = arith.constant 0 : i32
        "tpu.region"() ({
          %run_scoped3A_191 = tpu.sem_alloc : memref<!tpu.dma_semaphore, #tpu.memory_space<semaphore_mem>>
          %dma_start3A_192 = arith.constant 0 : i32
          %dma_start3A_193 = tpu.memref_slice %arg11[%run_scoped3A_140, %dma_start3A_192] : memref<4x128xi32, #tpu.memory_space<vmem>> -> memref<1x128xi32, #tpu.memory_space<vmem>>
          %dma_start3A_194 = tpu.memref_squeeze %dma_start3A_193 : memref<1x128xi32, #tpu.memory_space<vmem>> -> memref<128xi32, #tpu.memory_space<vmem>>
          %dma_start3A_195 = arith.constant 0 : i32
          %dma_start3A_196 = arith.constant 0 : i32
          %dma_start3A_197 = tpu.memref_slice %arg17[%dma_start3A_195, %dma_start3A_196] : memref<10000x16xf32, #tpu.memory_space<vmem_shared>> -> memref<10000x16xf32, #tpu.memory_space<vmem_shared>>
          tpu.enqueue_indirect_dma source(%arg14 : memref<128x16xf32, #tpu.memory_space<vmem>>) target(%dma_start3A_197 : memref<10000x16xf32, #tpu.memory_space<vmem_shared>>) offsets(%dma_start3A_194 : memref<128xi32, #tpu.memory_space<vmem>>) semaphore(%run_scoped3A_191 : memref<!tpu.dma_semaphore, #tpu.memory_space<semaphore_mem>>) {add = true}
          %dma_wait3A_198 = arith.constant 0 : i32
          %dma_wait3A_199 = tpu.memref_slice %arg11[%run_scoped3A_140, %dma_wait3A_198] : memref<4x128xi32, #tpu.memory_space<vmem>> -> memref<1x128xi32, #tpu.memory_space<vmem>>
          %dma_wait3A_200 = tpu.memref_squeeze %dma_wait3A_199 : memref<1x128xi32, #tpu.memory_space<vmem>> -> memref<128xi32, #tpu.memory_space<vmem>>
          %dma_wait3A_201 = arith.constant 0 : i32
          %dma_wait3A_202 = arith.constant 0 : i32
          %dma_wait3A_203 = tpu.memref_slice %arg17[%dma_wait3A_201, %dma_wait3A_202] : memref<10000x16xf32, #tpu.memory_space<vmem_shared>> -> memref<10000x16xf32, #tpu.memory_space<vmem_shared>>
          tpu.wait_indirect_dma semaphore(%run_scoped3A_191 : memref<!tpu.dma_semaphore, #tpu.memory_space<semaphore_mem>>) src(%arg14 : memref<128x16xf32, #tpu.memory_space<vmem>>) dst(%dma_wait3A_203 : memref<10000x16xf32, #tpu.memory_space<vmem_shared>>)
          tpu.yield
        }) : () -> ()
        %dma_wait3A_141 = arith.constant 1 : i32
        %dma_wait3A_142 = arith.constant 0 : i32
        %dma_wait3A_143 = tpu.memref_slice %arg10[%dma_wait3A_141, %dma_wait3A_142] : memref<4x128xi32, #tpu.memory_space<vmem>> -> memref<1x128xi32, #tpu.memory_space<vmem>>
        %dma_wait3A_144 = tpu.memref_squeeze %dma_wait3A_143 : memref<1x128xi32, #tpu.memory_space<vmem>> -> memref<128xi32, #tpu.memory_space<vmem>>
        %dma_wait3A_145 = arith.constant 0 : i32
        %dma_wait3A_146 = arith.constant 0 : i32
        %dma_wait3A_147 = tpu.memref_slice %arg2[%dma_wait3A_145, %dma_wait3A_146] : memref<10000x128xf32, #tpu.memory_space<hbm>> -> memref<10000x128xf32, #tpu.memory_space<hbm>>
        tpu.wait_indirect_dma semaphore(%arg19 : memref<!tpu.dma_semaphore, #tpu.memory_space<semaphore_mem>>) src(%dma_wait3A_147 : memref<10000x128xf32, #tpu.memory_space<hbm>>) dst(%arg13 : memref<128x128xf32, #tpu.memory_space<vmem>>)
        %dma_start3A_148 = arith.constant 2 : i32
        %dma_start3A_149 = arith.constant 0 : i32
        %dma_start3A_150 = tpu.memref_slice %arg10[%dma_start3A_148, %dma_start3A_149] : memref<4x128xi32, #tpu.memory_space<vmem>> -> memref<1x128xi32, #tpu.memory_space<vmem>>
        %dma_start3A_151 = tpu.memref_squeeze %dma_start3A_150 : memref<1x128xi32, #tpu.memory_space<vmem>> -> memref<128xi32, #tpu.memory_space<vmem>>
        %dma_start3A_152 = arith.constant 0 : i32
        %dma_start3A_153 = arith.constant 0 : i32
        %dma_start3A_154 = tpu.memref_slice %arg2[%dma_start3A_152, %dma_start3A_153] : memref<10000x128xf32, #tpu.memory_space<hbm>> -> memref<10000x128xf32, #tpu.memory_space<hbm>>
        tpu.enqueue_indirect_dma source(%dma_start3A_154 : memref<10000x128xf32, #tpu.memory_space<hbm>>) target(%arg12 : memref<128x128xf32, #tpu.memory_space<vmem>>) offsets(%dma_start3A_151 : memref<128xi32, #tpu.memory_space<vmem>>) semaphore(%arg18 : memref<!tpu.dma_semaphore, #tpu.memory_space<semaphore_mem>>)
        %run_scoped3A_155 = arith.constant 1 : i32
        "tpu.region"() ({
          %run_scoped3A_191 = tpu.sem_alloc : memref<!tpu.dma_semaphore, #tpu.memory_space<semaphore_mem>>
          %dma_start3A_192 = arith.constant 0 : i32
          %dma_start3A_193 = tpu.memref_slice %arg11[%run_scoped3A_155, %dma_start3A_192] : memref<4x128xi32, #tpu.memory_space<vmem>> -> memref<1x128xi32, #tpu.memory_space<vmem>>
          %dma_start3A_194 = tpu.memref_squeeze %dma_start3A_193 : memref<1x128xi32, #tpu.memory_space<vmem>> -> memref<128xi32, #tpu.memory_space<vmem>>
          %dma_start3A_195 = arith.constant 0 : i32
          %dma_start3A_196 = arith.constant 0 : i32
          %dma_start3A_197 = tpu.memref_slice %arg16[%dma_start3A_195, %dma_start3A_196] : memref<10000x128xf32, #tpu.memory_space<vmem_shared>> -> memref<10000x128xf32, #tpu.memory_space<vmem_shared>>
          tpu.enqueue_indirect_dma source(%arg13 : memref<128x128xf32, #tpu.memory_space<vmem>>) target(%dma_start3A_197 : memref<10000x128xf32, #tpu.memory_space<vmem_shared>>) offsets(%dma_start3A_194 : memref<128xi32, #tpu.memory_space<vmem>>) semaphore(%run_scoped3A_191 : memref<!tpu.dma_semaphore, #tpu.memory_space<semaphore_mem>>) {add = true}
          %dma_wait3A_198 = arith.constant 0 : i32
          %dma_wait3A_199 = tpu.memref_slice %arg11[%run_scoped3A_155, %dma_wait3A_198] : memref<4x128xi32, #tpu.memory_space<vmem>> -> memref<1x128xi32, #tpu.memory_space<vmem>>
          %dma_wait3A_200 = tpu.memref_squeeze %dma_wait3A_199 : memref<1x128xi32, #tpu.memory_space<vmem>> -> memref<128xi32, #tpu.memory_space<vmem>>
          %dma_wait3A_201 = arith.constant 0 : i32
          %dma_wait3A_202 = arith.constant 0 : i32
          %dma_wait3A_203 = tpu.memref_slice %arg16[%dma_wait3A_201, %dma_wait3A_202] : memref<10000x128xf32, #tpu.memory_space<vmem_shared>> -> memref<10000x128xf32, #tpu.memory_space<vmem_shared>>
          tpu.wait_indirect_dma semaphore(%run_scoped3A_191 : memref<!tpu.dma_semaphore, #tpu.memory_space<semaphore_mem>>) src(%arg13 : memref<128x128xf32, #tpu.memory_space<vmem>>) dst(%dma_wait3A_203 : memref<10000x128xf32, #tpu.memory_space<vmem_shared>>)
          tpu.yield
        }) : () -> ()
        %run_scoped3A_156 = arith.constant 1 : i32
        "tpu.region"() ({
          %run_scoped3A_191 = tpu.sem_alloc : memref<!tpu.dma_semaphore, #tpu.memory_space<semaphore_mem>>
          %dma_start3A_192 = arith.constant 0 : i32
          %dma_start3A_193 = tpu.memref_slice %arg11[%run_scoped3A_156, %dma_start3A_192] : memref<4x128xi32, #tpu.memory_space<vmem>> -> memref<1x128xi32, #tpu.memory_space<vmem>>
          %dma_start3A_194 = tpu.memref_squeeze %dma_start3A_193 : memref<1x128xi32, #tpu.memory_space<vmem>> -> memref<128xi32, #tpu.memory_space<vmem>>
          %dma_start3A_195 = arith.constant 0 : i32
          %dma_start3A_196 = arith.constant 0 : i32
          %dma_start3A_197 = tpu.memref_slice %arg17[%dma_start3A_195, %dma_start3A_196] : memref<10000x16xf32, #tpu.memory_space<vmem_shared>> -> memref<10000x16xf32, #tpu.memory_space<vmem_shared>>
          tpu.enqueue_indirect_dma source(%arg14 : memref<128x16xf32, #tpu.memory_space<vmem>>) target(%dma_start3A_197 : memref<10000x16xf32, #tpu.memory_space<vmem_shared>>) offsets(%dma_start3A_194 : memref<128xi32, #tpu.memory_space<vmem>>) semaphore(%run_scoped3A_191 : memref<!tpu.dma_semaphore, #tpu.memory_space<semaphore_mem>>) {add = true}
          %dma_wait3A_198 = arith.constant 0 : i32
          %dma_wait3A_199 = tpu.memref_slice %arg11[%run_scoped3A_156, %dma_wait3A_198] : memref<4x128xi32, #tpu.memory_space<vmem>> -> memref<1x128xi32, #tpu.memory_space<vmem>>
          %dma_wait3A_200 = tpu.memref_squeeze %dma_wait3A_199 : memref<1x128xi32, #tpu.memory_space<vmem>> -> memref<128xi32, #tpu.memory_space<vmem>>
          %dma_wait3A_201 = arith.constant 0 : i32
          %dma_wait3A_202 = arith.constant 0 : i32
          %dma_wait3A_203 = tpu.memref_slice %arg17[%dma_wait3A_201, %dma_wait3A_202] : memref<10000x16xf32, #tpu.memory_space<vmem_shared>> -> memref<10000x16xf32, #tpu.memory_space<vmem_shared>>
          tpu.wait_indirect_dma semaphore(%run_scoped3A_191 : memref<!tpu.dma_semaphore, #tpu.memory_space<semaphore_mem>>) src(%arg14 : memref<128x16xf32, #tpu.memory_space<vmem>>) dst(%dma_wait3A_203 : memref<10000x16xf32, #tpu.memory_space<vmem_shared>>)
          tpu.yield
        }) : () -> ()
        %dma_wait3A_157 = arith.constant 2 : i32
        %dma_wait3A_158 = arith.constant 0 : i32
        %dma_wait3A_159 = tpu.memref_slice %arg10[%dma_wait3A_157, %dma_wait3A_158] : memref<4x128xi32, #tpu.memory_space<vmem>> -> memref<1x128xi32, #tpu.memory_space<vmem>>
        %dma_wait3A_160 = tpu.memref_squeeze %dma_wait3A_159 : memref<1x128xi32, #tpu.memory_space<vmem>> -> memref<128xi32, #tpu.memory_space<vmem>>
        %dma_wait3A_161 = arith.constant 0 : i32
        %dma_wait3A_162 = arith.constant 0 : i32
        %dma_wait3A_163 = tpu.memref_slice %arg2[%dma_wait3A_161, %dma_wait3A_162] : memref<10000x128xf32, #tpu.memory_space<hbm>> -> memref<10000x128xf32, #tpu.memory_space<hbm>>
        tpu.wait_indirect_dma semaphore(%arg18 : memref<!tpu.dma_semaphore, #tpu.memory_space<semaphore_mem>>) src(%dma_wait3A_163 : memref<10000x128xf32, #tpu.memory_space<hbm>>) dst(%arg12 : memref<128x128xf32, #tpu.memory_space<vmem>>)
        %dma_start3A_164 = arith.constant 3 : i32
        %dma_start3A_165 = arith.constant 0 : i32
        %dma_start3A_166 = tpu.memref_slice %arg10[%dma_start3A_164, %dma_start3A_165] : memref<4x128xi32, #tpu.memory_space<vmem>> -> memref<1x128xi32, #tpu.memory_space<vmem>>
        %dma_start3A_167 = tpu.memref_squeeze %dma_start3A_166 : memref<1x128xi32, #tpu.memory_space<vmem>> -> memref<128xi32, #tpu.memory_space<vmem>>
        %dma_start3A_168 = arith.constant 0 : i32
        %dma_start3A_169 = arith.constant 0 : i32
        %dma_start3A_170 = tpu.memref_slice %arg2[%dma_start3A_168, %dma_start3A_169] : memref<10000x128xf32, #tpu.memory_space<hbm>> -> memref<10000x128xf32, #tpu.memory_space<hbm>>
        tpu.enqueue_indirect_dma source(%dma_start3A_170 : memref<10000x128xf32, #tpu.memory_space<hbm>>) target(%arg13 : memref<128x128xf32, #tpu.memory_space<vmem>>) offsets(%dma_start3A_167 : memref<128xi32, #tpu.memory_space<vmem>>) semaphore(%arg19 : memref<!tpu.dma_semaphore, #tpu.memory_space<semaphore_mem>>)
        %run_scoped3A_171 = arith.constant 2 : i32
        "tpu.region"() ({
          %run_scoped3A_191 = tpu.sem_alloc : memref<!tpu.dma_semaphore, #tpu.memory_space<semaphore_mem>>
          %dma_start3A_192 = arith.constant 0 : i32
          %dma_start3A_193 = tpu.memref_slice %arg11[%run_scoped3A_171, %dma_start3A_192] : memref<4x128xi32, #tpu.memory_space<vmem>> -> memref<1x128xi32, #tpu.memory_space<vmem>>
          %dma_start3A_194 = tpu.memref_squeeze %dma_start3A_193 : memref<1x128xi32, #tpu.memory_space<vmem>> -> memref<128xi32, #tpu.memory_space<vmem>>
          %dma_start3A_195 = arith.constant 0 : i32
          %dma_start3A_196 = arith.constant 0 : i32
          %dma_start3A_197 = tpu.memref_slice %arg16[%dma_start3A_195, %dma_start3A_196] : memref<10000x128xf32, #tpu.memory_space<vmem_shared>> -> memref<10000x128xf32, #tpu.memory_space<vmem_shared>>
          tpu.enqueue_indirect_dma source(%arg12 : memref<128x128xf32, #tpu.memory_space<vmem>>) target(%dma_start3A_197 : memref<10000x128xf32, #tpu.memory_space<vmem_shared>>) offsets(%dma_start3A_194 : memref<128xi32, #tpu.memory_space<vmem>>) semaphore(%run_scoped3A_191 : memref<!tpu.dma_semaphore, #tpu.memory_space<semaphore_mem>>) {add = true}
          %dma_wait3A_198 = arith.constant 0 : i32
          %dma_wait3A_199 = tpu.memref_slice %arg11[%run_scoped3A_171, %dma_wait3A_198] : memref<4x128xi32, #tpu.memory_space<vmem>> -> memref<1x128xi32, #tpu.memory_space<vmem>>
          %dma_wait3A_200 = tpu.memref_squeeze %dma_wait3A_199 : memref<1x128xi32, #tpu.memory_space<vmem>> -> memref<128xi32, #tpu.memory_space<vmem>>
          %dma_wait3A_201 = arith.constant 0 : i32
          %dma_wait3A_202 = arith.constant 0 : i32
          %dma_wait3A_203 = tpu.memref_slice %arg16[%dma_wait3A_201, %dma_wait3A_202] : memref<10000x128xf32, #tpu.memory_space<vmem_shared>> -> memref<10000x128xf32, #tpu.memory_space<vmem_shared>>
          tpu.wait_indirect_dma semaphore(%run_scoped3A_191 : memref<!tpu.dma_semaphore, #tpu.memory_space<semaphore_mem>>) src(%arg12 : memref<128x128xf32, #tpu.memory_space<vmem>>) dst(%dma_wait3A_203 : memref<10000x128xf32, #tpu.memory_space<vmem_shared>>)
          tpu.yield
        }) : () -> ()
        %run_scoped3A_172 = arith.constant 2 : i32
        "tpu.region"() ({
          %run_scoped3A_191 = tpu.sem_alloc : memref<!tpu.dma_semaphore, #tpu.memory_space<semaphore_mem>>
          %dma_start3A_192 = arith.constant 0 : i32
          %dma_start3A_193 = tpu.memref_slice %arg11[%run_scoped3A_172, %dma_start3A_192] : memref<4x128xi32, #tpu.memory_space<vmem>> -> memref<1x128xi32, #tpu.memory_space<vmem>>
          %dma_start3A_194 = tpu.memref_squeeze %dma_start3A_193 : memref<1x128xi32, #tpu.memory_space<vmem>> -> memref<128xi32, #tpu.memory_space<vmem>>
          %dma_start3A_195 = arith.constant 0 : i32
          %dma_start3A_196 = arith.constant 0 : i32
          %dma_start3A_197 = tpu.memref_slice %arg17[%dma_start3A_195, %dma_start3A_196] : memref<10000x16xf32, #tpu.memory_space<vmem_shared>> -> memref<10000x16xf32, #tpu.memory_space<vmem_shared>>
          tpu.enqueue_indirect_dma source(%arg14 : memref<128x16xf32, #tpu.memory_space<vmem>>) target(%dma_start3A_197 : memref<10000x16xf32, #tpu.memory_space<vmem_shared>>) offsets(%dma_start3A_194 : memref<128xi32, #tpu.memory_space<vmem>>) semaphore(%run_scoped3A_191 : memref<!tpu.dma_semaphore, #tpu.memory_space<semaphore_mem>>) {add = true}
          %dma_wait3A_198 = arith.constant 0 : i32
          %dma_wait3A_199 = tpu.memref_slice %arg11[%run_scoped3A_172, %dma_wait3A_198] : memref<4x128xi32, #tpu.memory_space<vmem>> -> memref<1x128xi32, #tpu.memory_space<vmem>>
          %dma_wait3A_200 = tpu.memref_squeeze %dma_wait3A_199 : memref<1x128xi32, #tpu.memory_space<vmem>> -> memref<128xi32, #tpu.memory_space<vmem>>
          %dma_wait3A_201 = arith.constant 0 : i32
          %dma_wait3A_202 = arith.constant 0 : i32
          %dma_wait3A_203 = tpu.memref_slice %arg17[%dma_wait3A_201, %dma_wait3A_202] : memref<10000x16xf32, #tpu.memory_space<vmem_shared>> -> memref<10000x16xf32, #tpu.memory_space<vmem_shared>>
          tpu.wait_indirect_dma semaphore(%run_scoped3A_191 : memref<!tpu.dma_semaphore, #tpu.memory_space<semaphore_mem>>) src(%arg14 : memref<128x16xf32, #tpu.memory_space<vmem>>) dst(%dma_wait3A_203 : memref<10000x16xf32, #tpu.memory_space<vmem_shared>>)
          tpu.yield
        }) : () -> ()
        %dma_wait3A_173 = arith.constant 3 : i32
        %dma_wait3A_174 = arith.constant 0 : i32
        %dma_wait3A_175 = tpu.memref_slice %arg10[%dma_wait3A_173, %dma_wait3A_174] : memref<4x128xi32, #tpu.memory_space<vmem>> -> memref<1x128xi32, #tpu.memory_space<vmem>>
        %dma_wait3A_176 = tpu.memref_squeeze %dma_wait3A_175 : memref<1x128xi32, #tpu.memory_space<vmem>> -> memref<128xi32, #tpu.memory_space<vmem>>
        %dma_wait3A_177 = arith.constant 0 : i32
        %dma_wait3A_178 = arith.constant 0 : i32
        %dma_wait3A_179 = tpu.memref_slice %arg2[%dma_wait3A_177, %dma_wait3A_178] : memref<10000x128xf32, #tpu.memory_space<hbm>> -> memref<10000x128xf32, #tpu.memory_space<hbm>>
        tpu.wait_indirect_dma semaphore(%arg19 : memref<!tpu.dma_semaphore, #tpu.memory_space<semaphore_mem>>) src(%dma_wait3A_179 : memref<10000x128xf32, #tpu.memory_space<hbm>>) dst(%arg13 : memref<128x128xf32, #tpu.memory_space<vmem>>)
        %lt3A = arith.constant 38 : i32
        %lt3A_180 = arith.cmpi slt, %scan3A_126, %lt3A : i32
        %convert_element_type3A_181 = arith.extui %lt3A_180 : i1 to i32
        %cond3A_182 = arith.constant 0 : i32
        %cond3A_183 = arith.cmpi ne, %convert_element_type3A_181, %cond3A_182 : i32
        scf.if %cond3A_183 {
          %add3A_191 = arith.constant 1 : i32
          %add3A_192 = arith.addi %scan3A_126, %add3A_191 : i32
          %mul3A_193 = arith.constant 4 : i32
          %mul3A_194 = arith.muli %add3A_192, %mul3A_193 : i32
          %add3A_195 = arith.addi %select_n3A, %mul3A_194 : i32
          "tpu.region"() ({
            %run_scoped3A_203 = tpu.sem_alloc : memref<!tpu.dma_semaphore, #tpu.memory_space<semaphore_mem>>
            %dma_start3A_204 = arith.constant 0 : i32
            %dma_start3A_205 = tpu.memref_slice %arg4[%add3A_195, %dma_start3A_204] : memref<2500x128xi32, #tpu.memory_space<hbm>> -> memref<4x128xi32, #tpu.memory_space<hbm>>
            %dma_start3A_206 = arith.constant 0 : i32
            %dma_start3A_207 = tpu.memref_slice %arg4[%add3A_195, %dma_start3A_206] : memref<2500x128xi32, #tpu.memory_space<hbm>> -> memref<4x128xi32, #tpu.memory_space<hbm>>
            tpu.enqueue_dma source(%dma_start3A_207 : memref<4x128xi32, #tpu.memory_space<hbm>>) target(%arg10 : memref<4x128xi32, #tpu.memory_space<vmem>>) target_semaphore(%run_scoped3A_203 : memref<!tpu.dma_semaphore, #tpu.memory_space<semaphore_mem>>)
            %dma_wait3A_208 = arith.constant 0 : i32
            %dma_wait3A_209 = tpu.memref_slice %arg4[%add3A_195, %dma_wait3A_208] : memref<2500x128xi32, #tpu.memory_space<hbm>> -> memref<4x128xi32, #tpu.memory_space<hbm>>
            %dma_wait3A_210 = arith.constant 0 : i32
            %dma_wait3A_211 = tpu.memref_slice %arg4[%add3A_195, %dma_wait3A_210] : memref<2500x128xi32, #tpu.memory_space<hbm>> -> memref<4x128xi32, #tpu.memory_space<hbm>>
            tpu.wait_dma2 semaphore(%run_scoped3A_203 : memref<!tpu.dma_semaphore, #tpu.memory_space<semaphore_mem>>) src(%dma_wait3A_211 : memref<4x128xi32, #tpu.memory_space<hbm>>) dst(%arg10 : memref<4x128xi32, #tpu.memory_space<vmem>>)
            tpu.yield
          }) : () -> ()
          %dma_start3A_196 = arith.constant 0 : i32
          %dma_start3A_197 = arith.constant 0 : i32
          %dma_start3A_198 = tpu.memref_slice %arg10[%dma_start3A_196, %dma_start3A_197] : memref<4x128xi32, #tpu.memory_space<vmem>> -> memref<1x128xi32, #tpu.memory_space<vmem>>
          %dma_start3A_199 = tpu.memref_squeeze %dma_start3A_198 : memref<1x128xi32, #tpu.memory_space<vmem>> -> memref<128xi32, #tpu.memory_space<vmem>>
          %dma_start3A_200 = arith.constant 0 : i32
          %dma_start3A_201 = arith.constant 0 : i32
          %dma_start3A_202 = tpu.memref_slice %arg2[%dma_start3A_200, %dma_start3A_201] : memref<10000x128xf32, #tpu.memory_space<hbm>> -> memref<10000x128xf32, #tpu.memory_space<hbm>>
          tpu.enqueue_indirect_dma source(%dma_start3A_202 : memref<10000x128xf32, #tpu.memory_space<hbm>>) target(%arg12 : memref<128x128xf32, #tpu.memory_space<vmem>>) offsets(%dma_start3A_199 : memref<128xi32, #tpu.memory_space<vmem>>) semaphore(%arg18 : memref<!tpu.dma_semaphore, #tpu.memory_space<semaphore_mem>>)
        } else {
        }
        %run_scoped3A_184 = arith.constant 3 : i32
        "tpu.region"() ({
          %run_scoped3A_191 = tpu.sem_alloc : memref<!tpu.dma_semaphore, #tpu.memory_space<semaphore_mem>>
          %dma_start3A_192 = arith.constant 0 : i32
          %dma_start3A_193 = tpu.memref_slice %arg11[%run_scoped3A_184, %dma_start3A_192] : memref<4x128xi32, #tpu.memory_space<vmem>> -> memref<1x128xi32, #tpu.memory_space<vmem>>
          %dma_start3A_194 = tpu.memref_squeeze %dma_start3A_193 : memref<1x128xi32, #tpu.memory_space<vmem>> -> memref<128xi32, #tpu.memory_space<vmem>>
          %dma_start3A_195 = arith.constant 0 : i32
          %dma_start3A_196 = arith.constant 0 : i32
          %dma_start3A_197 = tpu.memref_slice %arg16[%dma_start3A_195, %dma_start3A_196] : memref<10000x128xf32, #tpu.memory_space<vmem_shared>> -> memref<10000x128xf32, #tpu.memory_space<vmem_shared>>
          tpu.enqueue_indirect_dma source(%arg13 : memref<128x128xf32, #tpu.memory_space<vmem>>) target(%dma_start3A_197 : memref<10000x128xf32, #tpu.memory_space<vmem_shared>>) offsets(%dma_start3A_194 : memref<128xi32, #tpu.memory_space<vmem>>) semaphore(%run_scoped3A_191 : memref<!tpu.dma_semaphore, #tpu.memory_space<semaphore_mem>>) {add = true}
          %dma_wait3A_198 = arith.constant 0 : i32
          %dma_wait3A_199 = tpu.memref_slice %arg11[%run_scoped3A_184, %dma_wait3A_198] : memref<4x128xi32, #tpu.memory_space<vmem>> -> memref<1x128xi32, #tpu.memory_space<vmem>>
          %dma_wait3A_200 = tpu.memref_squeeze %dma_wait3A_199 : memref<1x128xi32, #tpu.memory_space<vmem>> -> memref<128xi32, #tpu.memory_space<vmem>>
          %dma_wait3A_201 = arith.constant 0 : i32
          %dma_wait3A_202 = arith.constant 0 : i32
          %dma_wait3A_203 = tpu.memref_slice %arg16[%dma_wait3A_201, %dma_wait3A_202] : memref<10000x128xf32, #tpu.memory_space<vmem_shared>> -> memref<10000x128xf32, #tpu.memory_space<vmem_shared>>
          tpu.wait_indirect_dma semaphore(%run_scoped3A_191 : memref<!tpu.dma_semaphore, #tpu.memory_space<semaphore_mem>>) src(%arg13 : memref<128x128xf32, #tpu.memory_space<vmem>>) dst(%dma_wait3A_203 : memref<10000x128xf32, #tpu.memory_space<vmem_shared>>)
          tpu.yield
        }) : () -> ()
        %run_scoped3A_185 = arith.constant 3 : i32
        "tpu.region"() ({
          %run_scoped3A_191 = tpu.sem_alloc : memref<!tpu.dma_semaphore, #tpu.memory_space<semaphore_mem>>
          %dma_start3A_192 = arith.constant 0 : i32
          %dma_start3A_193 = tpu.memref_slice %arg11[%run_scoped3A_185, %dma_start3A_192] : memref<4x128xi32, #tpu.memory_space<vmem>> -> memref<1x128xi32, #tpu.memory_space<vmem>>
          %dma_start3A_194 = tpu.memref_squeeze %dma_start3A_193 : memref<1x128xi32, #tpu.memory_space<vmem>> -> memref<128xi32, #tpu.memory_space<vmem>>
          %dma_start3A_195 = arith.constant 0 : i32
          %dma_start3A_196 = arith.constant 0 : i32
          %dma_start3A_197 = tpu.memref_slice %arg17[%dma_start3A_195, %dma_start3A_196] : memref<10000x16xf32, #tpu.memory_space<vmem_shared>> -> memref<10000x16xf32, #tpu.memory_space<vmem_shared>>
          tpu.enqueue_indirect_dma source(%arg14 : memref<128x16xf32, #tpu.memory_space<vmem>>) target(%dma_start3A_197 : memref<10000x16xf32, #tpu.memory_space<vmem_shared>>) offsets(%dma_start3A_194 : memref<128xi32, #tpu.memory_space<vmem>>) semaphore(%run_scoped3A_191 : memref<!tpu.dma_semaphore, #tpu.memory_space<semaphore_mem>>) {add = true}
          %dma_wait3A_198 = arith.constant 0 : i32
          %dma_wait3A_199 = tpu.memref_slice %arg11[%run_scoped3A_185, %dma_wait3A_198] : memref<4x128xi32, #tpu.memory_space<vmem>> -> memref<1x128xi32, #tpu.memory_space<vmem>>
          %dma_wait3A_200 = tpu.memref_squeeze %dma_wait3A_199 : memref<1x128xi32, #tpu.memory_space<vmem>> -> memref<128xi32, #tpu.memory_space<vmem>>
          %dma_wait3A_201 = arith.constant 0 : i32
          %dma_wait3A_202 = arith.constant 0 : i32
          %dma_wait3A_203 = tpu.memref_slice %arg17[%dma_wait3A_201, %dma_wait3A_202] : memref<10000x16xf32, #tpu.memory_space<vmem_shared>> -> memref<10000x16xf32, #tpu.memory_space<vmem_shared>>
          tpu.wait_indirect_dma semaphore(%run_scoped3A_191 : memref<!tpu.dma_semaphore, #tpu.memory_space<semaphore_mem>>) src(%arg14 : memref<128x16xf32, #tpu.memory_space<vmem>>) dst(%dma_wait3A_203 : memref<10000x16xf32, #tpu.memory_space<vmem_shared>>)
          tpu.yield
        }) : () -> ()
        %lt3A_186 = arith.constant 38 : i32
        %lt3A_187 = arith.cmpi slt, %scan3A_126, %lt3A_186 : i32
        %convert_element_type3A_188 = arith.extui %lt3A_187 : i1 to i32
        %cond3A_189 = arith.constant 0 : i32
        %cond3A_190 = arith.cmpi ne, %convert_element_type3A_188, %cond3A_189 : i32
        scf.if %cond3A_190 {
          %add3A_191 = arith.constant 1 : i32
          %add3A_192 = arith.addi %scan3A_126, %add3A_191 : i32
          %mul3A_193 = arith.constant 4 : i32
          %mul3A_194 = arith.muli %add3A_192, %mul3A_193 : i32
          %add3A_195 = arith.addi %select_n3A, %mul3A_194 : i32
          "tpu.region"() ({
            %run_scoped3A_196 = tpu.sem_alloc : memref<!tpu.dma_semaphore, #tpu.memory_space<semaphore_mem>>
            %dma_start3A_197 = arith.constant 0 : i32
            %dma_start3A_198 = tpu.memref_slice %arg5[%add3A_195, %dma_start3A_197] : memref<2500x128xi32, #tpu.memory_space<hbm>> -> memref<4x128xi32, #tpu.memory_space<hbm>>
            %dma_start3A_199 = arith.constant 0 : i32
            %dma_start3A_200 = tpu.memref_slice %arg5[%add3A_195, %dma_start3A_199] : memref<2500x128xi32, #tpu.memory_space<hbm>> -> memref<4x128xi32, #tpu.memory_space<hbm>>
            tpu.enqueue_dma source(%dma_start3A_200 : memref<4x128xi32, #tpu.memory_space<hbm>>) target(%arg11 : memref<4x128xi32, #tpu.memory_space<vmem>>) target_semaphore(%run_scoped3A_196 : memref<!tpu.dma_semaphore, #tpu.memory_space<semaphore_mem>>)
            %dma_wait3A_201 = arith.constant 0 : i32
            %dma_wait3A_202 = tpu.memref_slice %arg5[%add3A_195, %dma_wait3A_201] : memref<2500x128xi32, #tpu.memory_space<hbm>> -> memref<4x128xi32, #tpu.memory_space<hbm>>
            %dma_wait3A_203 = arith.constant 0 : i32
            %dma_wait3A_204 = tpu.memref_slice %arg5[%add3A_195, %dma_wait3A_203] : memref<2500x128xi32, #tpu.memory_space<hbm>> -> memref<4x128xi32, #tpu.memory_space<hbm>>
            tpu.wait_dma2 semaphore(%run_scoped3A_196 : memref<!tpu.dma_semaphore, #tpu.memory_space<semaphore_mem>>) src(%dma_wait3A_204 : memref<4x128xi32, #tpu.memory_space<hbm>>) dst(%arg11 : memref<4x128xi32, #tpu.memory_space<vmem>>)
            tpu.yield
          }) : () -> ()
        } else {
        }
      }
      %scan3A_120 = arith.constant 39 : i32
      %eq3A_121 = arith.constant 157 : i32
      %eq3A_122 = arith.cmpi eq, %sub3A_92, %eq3A_121 : i32
      %convert_element_type3A_123 = arith.extui %eq3A_122 : i1 to i32
      %cond3A_124 = arith.constant 0 : i32
      %cond3A_125 = arith.cmpi ne, %convert_element_type3A_123, %cond3A_124 : i32
      scf.if %cond3A_125 {
        %add3A_126 = arith.constant 156 : i32
        %add3A_127 = arith.addi %select_n3A, %add3A_126 : i32
        "tpu.region"() ({
          %run_scoped3A_144 = tpu.sem_alloc : memref<!tpu.dma_semaphore, #tpu.memory_space<semaphore_mem>>
          %dma_start3A_145 = arith.constant 0 : i32
          %dma_start3A_146 = arith.constant 0 : i32
          %dma_start3A_147 = tpu.memref_slice %arg10[%dma_start3A_145, %dma_start3A_146] : memref<4x128xi32, #tpu.memory_space<vmem>> -> memref<1x128xi32, #tpu.memory_space<vmem>>
          %dma_start3A_148 = arith.constant 0 : i32
          %dma_start3A_149 = tpu.memref_slice %arg4[%add3A_127, %dma_start3A_148] : memref<2500x128xi32, #tpu.memory_space<hbm>> -> memref<1x128xi32, #tpu.memory_space<hbm>>
          %dma_start3A_150 = arith.constant 0 : i32
          %dma_start3A_151 = arith.constant 0 : i32
          %dma_start3A_152 = tpu.memref_slice %arg10[%dma_start3A_150, %dma_start3A_151] : memref<4x128xi32, #tpu.memory_space<vmem>> -> memref<1x128xi32, #tpu.memory_space<vmem>>
          %dma_start3A_153 = arith.constant 0 : i32
          %dma_start3A_154 = tpu.memref_slice %arg4[%add3A_127, %dma_start3A_153] : memref<2500x128xi32, #tpu.memory_space<hbm>> -> memref<1x128xi32, #tpu.memory_space<hbm>>
          tpu.enqueue_dma source(%dma_start3A_154 : memref<1x128xi32, #tpu.memory_space<hbm>>) target(%dma_start3A_152 : memref<1x128xi32, #tpu.memory_space<vmem>>) target_semaphore(%run_scoped3A_144 : memref<!tpu.dma_semaphore, #tpu.memory_space<semaphore_mem>>)
          %dma_wait3A_155 = arith.constant 0 : i32
          %dma_wait3A_156 = arith.constant 0 : i32
          %dma_wait3A_157 = tpu.memref_slice %arg10[%dma_wait3A_155, %dma_wait3A_156] : memref<4x128xi32, #tpu.memory_space<vmem>> -> memref<1x128xi32, #tpu.memory_space<vmem>>
          %dma_wait3A_158 = arith.constant 0 : i32
          %dma_wait3A_159 = tpu.memref_slice %arg4[%add3A_127, %dma_wait3A_158] : memref<2500x128xi32, #tpu.memory_space<hbm>> -> memref<1x128xi32, #tpu.memory_space<hbm>>
          %dma_wait3A_160 = arith.constant 0 : i32
          %dma_wait3A_161 = arith.constant 0 : i32
          %dma_wait3A_162 = tpu.memref_slice %arg10[%dma_wait3A_160, %dma_wait3A_161] : memref<4x128xi32, #tpu.memory_space<vmem>> -> memref<1x128xi32, #tpu.memory_space<vmem>>
          %dma_wait3A_163 = arith.constant 0 : i32
          %dma_wait3A_164 = tpu.memref_slice %arg4[%add3A_127, %dma_wait3A_163] : memref<2500x128xi32, #tpu.memory_space<hbm>> -> memref<1x128xi32, #tpu.memory_space<hbm>>
          tpu.wait_dma2 semaphore(%run_scoped3A_144 : memref<!tpu.dma_semaphore, #tpu.memory_space<semaphore_mem>>) src(%dma_wait3A_164 : memref<1x128xi32, #tpu.memory_space<hbm>>) dst(%dma_wait3A_162 : memref<1x128xi32, #tpu.memory_space<vmem>>)
          tpu.yield
        }) : () -> ()
        %add3A_128 = arith.constant 156 : i32
        %add3A_129 = arith.addi %select_n3A, %add3A_128 : i32
        "tpu.region"() ({
          %run_scoped3A_144 = tpu.sem_alloc : memref<!tpu.dma_semaphore, #tpu.memory_space<semaphore_mem>>
          %dma_start3A_145 = arith.constant 0 : i32
          %dma_start3A_146 = arith.constant 0 : i32
          %dma_start3A_147 = tpu.memref_slice %arg11[%dma_start3A_145, %dma_start3A_146] : memref<4x128xi32, #tpu.memory_space<vmem>> -> memref<1x128xi32, #tpu.memory_space<vmem>>
          %dma_start3A_148 = arith.constant 0 : i32
          %dma_start3A_149 = tpu.memref_slice %arg5[%add3A_129, %dma_start3A_148] : memref<2500x128xi32, #tpu.memory_space<hbm>> -> memref<1x128xi32, #tpu.memory_space<hbm>>
          %dma_start3A_150 = arith.constant 0 : i32
          %dma_start3A_151 = arith.constant 0 : i32
          %dma_start3A_152 = tpu.memref_slice %arg11[%dma_start3A_150, %dma_start3A_151] : memref<4x128xi32, #tpu.memory_space<vmem>> -> memref<1x128xi32, #tpu.memory_space<vmem>>
          %dma_start3A_153 = arith.constant 0 : i32
          %dma_start3A_154 = tpu.memref_slice %arg5[%add3A_129, %dma_start3A_153] : memref<2500x128xi32, #tpu.memory_space<hbm>> -> memref<1x128xi32, #tpu.memory_space<hbm>>
          tpu.enqueue_dma source(%dma_start3A_154 : memref<1x128xi32, #tpu.memory_space<hbm>>) target(%dma_start3A_152 : memref<1x128xi32, #tpu.memory_space<vmem>>) target_semaphore(%run_scoped3A_144 : memref<!tpu.dma_semaphore, #tpu.memory_space<semaphore_mem>>)
          %dma_wait3A_155 = arith.constant 0 : i32
          %dma_wait3A_156 = arith.constant 0 : i32
          %dma_wait3A_157 = tpu.memref_slice %arg11[%dma_wait3A_155, %dma_wait3A_156] : memref<4x128xi32, #tpu.memory_space<vmem>> -> memref<1x128xi32, #tpu.memory_space<vmem>>
          %dma_wait3A_158 = arith.constant 0 : i32
          %dma_wait3A_159 = tpu.memref_slice %arg5[%add3A_129, %dma_wait3A_158] : memref<2500x128xi32, #tpu.memory_space<hbm>> -> memref<1x128xi32, #tpu.memory_space<hbm>>
          %dma_wait3A_160 = arith.constant 0 : i32
          %dma_wait3A_161 = arith.constant 0 : i32
          %dma_wait3A_162 = tpu.memref_slice %arg11[%dma_wait3A_160, %dma_wait3A_161] : memref<4x128xi32, #tpu.memory_space<vmem>> -> memref<1x128xi32, #tpu.memory_space<vmem>>
          %dma_wait3A_163 = arith.constant 0 : i32
          %dma_wait3A_164 = tpu.memref_slice %arg5[%add3A_129, %dma_wait3A_163] : memref<2500x128xi32, #tpu.memory_space<hbm>> -> memref<1x128xi32, #tpu.memory_space<hbm>>
          tpu.wait_dma2 semaphore(%run_scoped3A_144 : memref<!tpu.dma_semaphore, #tpu.memory_space<semaphore_mem>>) src(%dma_wait3A_164 : memref<1x128xi32, #tpu.memory_space<hbm>>) dst(%dma_wait3A_162 : memref<1x128xi32, #tpu.memory_space<vmem>>)
          tpu.yield
        }) : () -> ()
        %dma_start3A_130 = arith.constant 0 : i32
        %dma_start3A_131 = arith.constant 0 : i32
        %dma_start3A_132 = tpu.memref_slice %arg10[%dma_start3A_130, %dma_start3A_131] : memref<4x128xi32, #tpu.memory_space<vmem>> -> memref<1x128xi32, #tpu.memory_space<vmem>>
        %dma_start3A_133 = tpu.memref_squeeze %dma_start3A_132 : memref<1x128xi32, #tpu.memory_space<vmem>> -> memref<128xi32, #tpu.memory_space<vmem>>
        %dma_start3A_134 = arith.constant 0 : i32
        %dma_start3A_135 = arith.constant 0 : i32
        %dma_start3A_136 = tpu.memref_slice %arg2[%dma_start3A_134, %dma_start3A_135] : memref<10000x128xf32, #tpu.memory_space<hbm>> -> memref<10000x128xf32, #tpu.memory_space<hbm>>
        tpu.enqueue_indirect_dma source(%dma_start3A_136 : memref<10000x128xf32, #tpu.memory_space<hbm>>) target(%arg12 : memref<128x128xf32, #tpu.memory_space<vmem>>) offsets(%dma_start3A_133 : memref<128xi32, #tpu.memory_space<vmem>>) semaphore(%arg18 : memref<!tpu.dma_semaphore, #tpu.memory_space<semaphore_mem>>)
        %dma_wait3A = arith.constant 0 : i32
        %dma_wait3A_137 = arith.constant 0 : i32
        %dma_wait3A_138 = tpu.memref_slice %arg10[%dma_wait3A, %dma_wait3A_137] : memref<4x128xi32, #tpu.memory_space<vmem>> -> memref<1x128xi32, #tpu.memory_space<vmem>>
        %dma_wait3A_139 = tpu.memref_squeeze %dma_wait3A_138 : memref<1x128xi32, #tpu.memory_space<vmem>> -> memref<128xi32, #tpu.memory_space<vmem>>
        %dma_wait3A_140 = arith.constant 0 : i32
        %dma_wait3A_141 = arith.constant 0 : i32
        %dma_wait3A_142 = tpu.memref_slice %arg2[%dma_wait3A_140, %dma_wait3A_141] : memref<10000x128xf32, #tpu.memory_space<hbm>> -> memref<10000x128xf32, #tpu.memory_space<hbm>>
        tpu.wait_indirect_dma semaphore(%arg18 : memref<!tpu.dma_semaphore, #tpu.memory_space<semaphore_mem>>) src(%dma_wait3A_142 : memref<10000x128xf32, #tpu.memory_space<hbm>>) dst(%arg12 : memref<128x128xf32, #tpu.memory_space<vmem>>)
        %run_scoped3A = arith.constant 0 : i32
        "tpu.region"() ({
          %run_scoped3A_144 = tpu.sem_alloc : memref<!tpu.dma_semaphore, #tpu.memory_space<semaphore_mem>>
          %dma_start3A_145 = arith.constant 0 : i32
          %dma_start3A_146 = tpu.memref_slice %arg11[%run_scoped3A, %dma_start3A_145] : memref<4x128xi32, #tpu.memory_space<vmem>> -> memref<1x128xi32, #tpu.memory_space<vmem>>
          %dma_start3A_147 = tpu.memref_squeeze %dma_start3A_146 : memref<1x128xi32, #tpu.memory_space<vmem>> -> memref<128xi32, #tpu.memory_space<vmem>>
          %dma_start3A_148 = arith.constant 0 : i32
          %dma_start3A_149 = arith.constant 0 : i32
          %dma_start3A_150 = tpu.memref_slice %arg16[%dma_start3A_148, %dma_start3A_149] : memref<10000x128xf32, #tpu.memory_space<vmem_shared>> -> memref<10000x128xf32, #tpu.memory_space<vmem_shared>>
          tpu.enqueue_indirect_dma source(%arg12 : memref<128x128xf32, #tpu.memory_space<vmem>>) target(%dma_start3A_150 : memref<10000x128xf32, #tpu.memory_space<vmem_shared>>) offsets(%dma_start3A_147 : memref<128xi32, #tpu.memory_space<vmem>>) semaphore(%run_scoped3A_144 : memref<!tpu.dma_semaphore, #tpu.memory_space<semaphore_mem>>) {add = true}
          %dma_wait3A_151 = arith.constant 0 : i32
          %dma_wait3A_152 = tpu.memref_slice %arg11[%run_scoped3A, %dma_wait3A_151] : memref<4x128xi32, #tpu.memory_space<vmem>> -> memref<1x128xi32, #tpu.memory_space<vmem>>
          %dma_wait3A_153 = tpu.memref_squeeze %dma_wait3A_152 : memref<1x128xi32, #tpu.memory_space<vmem>> -> memref<128xi32, #tpu.memory_space<vmem>>
          %dma_wait3A_154 = arith.constant 0 : i32
          %dma_wait3A_155 = arith.constant 0 : i32
          %dma_wait3A_156 = tpu.memref_slice %arg16[%dma_wait3A_154, %dma_wait3A_155] : memref<10000x128xf32, #tpu.memory_space<vmem_shared>> -> memref<10000x128xf32, #tpu.memory_space<vmem_shared>>
          tpu.wait_indirect_dma semaphore(%run_scoped3A_144 : memref<!tpu.dma_semaphore, #tpu.memory_space<semaphore_mem>>) src(%arg12 : memref<128x128xf32, #tpu.memory_space<vmem>>) dst(%dma_wait3A_156 : memref<10000x128xf32, #tpu.memory_space<vmem_shared>>)
          tpu.yield
        }) : () -> ()
        %run_scoped3A_143 = arith.constant 0 : i32
        "tpu.region"() ({
          %run_scoped3A_144 = tpu.sem_alloc : memref<!tpu.dma_semaphore, #tpu.memory_space<semaphore_mem>>
          %dma_start3A_145 = arith.constant 0 : i32
          %dma_start3A_146 = tpu.memref_slice %arg11[%run_scoped3A_143, %dma_start3A_145] : memref<4x128xi32, #tpu.memory_space<vmem>> -> memref<1x128xi32, #tpu.memory_space<vmem>>
          %dma_start3A_147 = tpu.memref_squeeze %dma_start3A_146 : memref<1x128xi32, #tpu.memory_space<vmem>> -> memref<128xi32, #tpu.memory_space<vmem>>
          %dma_start3A_148 = arith.constant 0 : i32
          %dma_start3A_149 = arith.constant 0 : i32
          %dma_start3A_150 = tpu.memref_slice %arg17[%dma_start3A_148, %dma_start3A_149] : memref<10000x16xf32, #tpu.memory_space<vmem_shared>> -> memref<10000x16xf32, #tpu.memory_space<vmem_shared>>
          tpu.enqueue_indirect_dma source(%arg14 : memref<128x16xf32, #tpu.memory_space<vmem>>) target(%dma_start3A_150 : memref<10000x16xf32, #tpu.memory_space<vmem_shared>>) offsets(%dma_start3A_147 : memref<128xi32, #tpu.memory_space<vmem>>) semaphore(%run_scoped3A_144 : memref<!tpu.dma_semaphore, #tpu.memory_space<semaphore_mem>>) {add = true}
          %dma_wait3A_151 = arith.constant 0 : i32
          %dma_wait3A_152 = tpu.memref_slice %arg11[%run_scoped3A_143, %dma_wait3A_151] : memref<4x128xi32, #tpu.memory_space<vmem>> -> memref<1x128xi32, #tpu.memory_space<vmem>>
          %dma_wait3A_153 = tpu.memref_squeeze %dma_wait3A_152 : memref<1x128xi32, #tpu.memory_space<vmem>> -> memref<128xi32, #tpu.memory_space<vmem>>
          %dma_wait3A_154 = arith.constant 0 : i32
          %dma_wait3A_155 = arith.constant 0 : i32
          %dma_wait3A_156 = tpu.memref_slice %arg17[%dma_wait3A_154, %dma_wait3A_155] : memref<10000x16xf32, #tpu.memory_space<vmem_shared>> -> memref<10000x16xf32, #tpu.memory_space<vmem_shared>>
          tpu.wait_indirect_dma semaphore(%run_scoped3A_144 : memref<!tpu.dma_semaphore, #tpu.memory_space<semaphore_mem>>) src(%arg14 : memref<128x16xf32, #tpu.memory_space<vmem>>) dst(%dma_wait3A_156 : memref<10000x16xf32, #tpu.memory_space<vmem_shared>>)
          tpu.yield
        }) : () -> ()
      } else {
      }
    } else {
    }
    %eq3A_95 = arith.constant 1 : i32
    %eq3A_96 = arith.cmpi eq, %arg0, %eq3A_95 : i32
    %convert_element_type3A_97 = arith.extui %eq3A_96 : i1 to i32
    %cond3A_98 = arith.constant 0 : i32
    %cond3A_99 = arith.cmpi ne, %convert_element_type3A_97, %cond3A_98 : i32
    scf.if %cond3A_99 {
      "tpu.region"() ({
        %run_scoped3A = tpu.sem_alloc : memref<!tpu.dma_semaphore, #tpu.memory_space<semaphore_mem>>
        %dma_start3A_126 = arith.constant 0 : i32
        %dma_start3A_127 = tpu.memref_slice %arg6[%select_n3A, %dma_start3A_126] : memref<2500x128xi32, #tpu.memory_space<hbm>> -> memref<4x128xi32, #tpu.memory_space<hbm>>
        %dma_start3A_128 = arith.constant 0 : i32
        %dma_start3A_129 = tpu.memref_slice %arg6[%select_n3A, %dma_start3A_128] : memref<2500x128xi32, #tpu.memory_space<hbm>> -> memref<4x128xi32, #tpu.memory_space<hbm>>
        tpu.enqueue_dma source(%dma_start3A_129 : memref<4x128xi32, #tpu.memory_space<hbm>>) target(%arg10 : memref<4x128xi32, #tpu.memory_space<vmem>>) target_semaphore(%run_scoped3A : memref<!tpu.dma_semaphore, #tpu.memory_space<semaphore_mem>>)
        %dma_wait3A = arith.constant 0 : i32
        %dma_wait3A_130 = tpu.memref_slice %arg6[%select_n3A, %dma_wait3A] : memref<2500x128xi32, #tpu.memory_space<hbm>> -> memref<4x128xi32, #tpu.memory_space<hbm>>
        %dma_wait3A_131 = arith.constant 0 : i32
        %dma_wait3A_132 = tpu.memref_slice %arg6[%select_n3A, %dma_wait3A_131] : memref<2500x128xi32, #tpu.memory_space<hbm>> -> memref<4x128xi32, #tpu.memory_space<hbm>>
        tpu.wait_dma2 semaphore(%run_scoped3A : memref<!tpu.dma_semaphore, #tpu.memory_space<semaphore_mem>>) src(%dma_wait3A_132 : memref<4x128xi32, #tpu.memory_space<hbm>>) dst(%arg10 : memref<4x128xi32, #tpu.memory_space<vmem>>)
        tpu.yield
      }) : () -> ()
      "tpu.region"() ({
        %run_scoped3A = tpu.sem_alloc : memref<!tpu.dma_semaphore, #tpu.memory_space<semaphore_mem>>
        %dma_start3A_126 = arith.constant 0 : i32
        %dma_start3A_127 = tpu.memref_slice %arg7[%select_n3A, %dma_start3A_126] : memref<2500x128xi32, #tpu.memory_space<hbm>> -> memref<4x128xi32, #tpu.memory_space<hbm>>
        %dma_start3A_128 = arith.constant 0 : i32
        %dma_start3A_129 = tpu.memref_slice %arg7[%select_n3A, %dma_start3A_128] : memref<2500x128xi32, #tpu.memory_space<hbm>> -> memref<4x128xi32, #tpu.memory_space<hbm>>
        tpu.enqueue_dma source(%dma_start3A_129 : memref<4x128xi32, #tpu.memory_space<hbm>>) target(%arg11 : memref<4x128xi32, #tpu.memory_space<vmem>>) target_semaphore(%run_scoped3A : memref<!tpu.dma_semaphore, #tpu.memory_space<semaphore_mem>>)
        %dma_wait3A = arith.constant 0 : i32
        %dma_wait3A_130 = tpu.memref_slice %arg7[%select_n3A, %dma_wait3A] : memref<2500x128xi32, #tpu.memory_space<hbm>> -> memref<4x128xi32, #tpu.memory_space<hbm>>
        %dma_wait3A_131 = arith.constant 0 : i32
        %dma_wait3A_132 = tpu.memref_slice %arg7[%select_n3A, %dma_wait3A_131] : memref<2500x128xi32, #tpu.memory_space<hbm>> -> memref<4x128xi32, #tpu.memory_space<hbm>>
        tpu.wait_dma2 semaphore(%run_scoped3A : memref<!tpu.dma_semaphore, #tpu.memory_space<semaphore_mem>>) src(%dma_wait3A_132 : memref<4x128xi32, #tpu.memory_space<hbm>>) dst(%arg11 : memref<4x128xi32, #tpu.memory_space<vmem>>)
        tpu.yield
      }) : () -> ()
      %dma_start3A = arith.constant 0 : i32
      %dma_start3A_109 = arith.constant 0 : i32
      %dma_start3A_110 = tpu.memref_slice %arg10[%dma_start3A, %dma_start3A_109] : memref<4x128xi32, #tpu.memory_space<vmem>> -> memref<1x128xi32, #tpu.memory_space<vmem>>
      %dma_start3A_111 = tpu.memref_squeeze %dma_start3A_110 : memref<1x128xi32, #tpu.memory_space<vmem>> -> memref<128xi32, #tpu.memory_space<vmem>>
      %dma_start3A_112 = arith.constant 0 : i32
      %dma_start3A_113 = arith.constant 0 : i32
      %dma_start3A_114 = tpu.memref_slice %arg3[%dma_start3A_112, %dma_start3A_113] : memref<10000x128xf32, #tpu.memory_space<hbm>> -> memref<10000x128xf32, #tpu.memory_space<hbm>>
      tpu.enqueue_indirect_dma source(%dma_start3A_114 : memref<10000x128xf32, #tpu.memory_space<hbm>>) target(%arg12 : memref<128x128xf32, #tpu.memory_space<vmem>>) offsets(%dma_start3A_111 : memref<128xi32, #tpu.memory_space<vmem>>) semaphore(%arg18 : memref<!tpu.dma_semaphore, #tpu.memory_space<semaphore_mem>>)
      %scan3A_115 = arith.constant 0 : i32
      %scan3A_116 = arith.constant 0 : i32
      %scan3A_117 = arith.constant 39 : i32
      %scan3A_118 = arith.addi %scan3A_116, %scan3A_117 : i32
      %scan3A_119 = arith.constant 1 : i32
      scf.for %scan3A_126 = %scan3A_116 to %scan3A_118 step %scan3A_119  : i32 {
        %dma_wait3A = arith.constant 0 : i32
        %dma_wait3A_127 = arith.constant 0 : i32
        %dma_wait3A_128 = tpu.memref_slice %arg10[%dma_wait3A, %dma_wait3A_127] : memref<4x128xi32, #tpu.memory_space<vmem>> -> memref<1x128xi32, #tpu.memory_space<vmem>>
        %dma_wait3A_129 = tpu.memref_squeeze %dma_wait3A_128 : memref<1x128xi32, #tpu.memory_space<vmem>> -> memref<128xi32, #tpu.memory_space<vmem>>
        %dma_wait3A_130 = arith.constant 0 : i32
        %dma_wait3A_131 = arith.constant 0 : i32
        %dma_wait3A_132 = tpu.memref_slice %arg3[%dma_wait3A_130, %dma_wait3A_131] : memref<10000x128xf32, #tpu.memory_space<hbm>> -> memref<10000x128xf32, #tpu.memory_space<hbm>>
        tpu.wait_indirect_dma semaphore(%arg18 : memref<!tpu.dma_semaphore, #tpu.memory_space<semaphore_mem>>) src(%dma_wait3A_132 : memref<10000x128xf32, #tpu.memory_space<hbm>>) dst(%arg12 : memref<128x128xf32, #tpu.memory_space<vmem>>)
        %dma_start3A_133 = arith.constant 1 : i32
        %dma_start3A_134 = arith.constant 0 : i32
        %dma_start3A_135 = tpu.memref_slice %arg10[%dma_start3A_133, %dma_start3A_134] : memref<4x128xi32, #tpu.memory_space<vmem>> -> memref<1x128xi32, #tpu.memory_space<vmem>>
        %dma_start3A_136 = tpu.memref_squeeze %dma_start3A_135 : memref<1x128xi32, #tpu.memory_space<vmem>> -> memref<128xi32, #tpu.memory_space<vmem>>
        %dma_start3A_137 = arith.constant 0 : i32
        %dma_start3A_138 = arith.constant 0 : i32
        %dma_start3A_139 = tpu.memref_slice %arg3[%dma_start3A_137, %dma_start3A_138] : memref<10000x128xf32, #tpu.memory_space<hbm>> -> memref<10000x128xf32, #tpu.memory_space<hbm>>
        tpu.enqueue_indirect_dma source(%dma_start3A_139 : memref<10000x128xf32, #tpu.memory_space<hbm>>) target(%arg13 : memref<128x128xf32, #tpu.memory_space<vmem>>) offsets(%dma_start3A_136 : memref<128xi32, #tpu.memory_space<vmem>>) semaphore(%arg19 : memref<!tpu.dma_semaphore, #tpu.memory_space<semaphore_mem>>)
        %run_scoped3A = arith.constant 0 : i32
        "tpu.region"() ({
          %run_scoped3A_191 = tpu.sem_alloc : memref<!tpu.dma_semaphore, #tpu.memory_space<semaphore_mem>>
          %dma_start3A_192 = arith.constant 0 : i32
          %dma_start3A_193 = tpu.memref_slice %arg11[%run_scoped3A, %dma_start3A_192] : memref<4x128xi32, #tpu.memory_space<vmem>> -> memref<1x128xi32, #tpu.memory_space<vmem>>
          %dma_start3A_194 = tpu.memref_squeeze %dma_start3A_193 : memref<1x128xi32, #tpu.memory_space<vmem>> -> memref<128xi32, #tpu.memory_space<vmem>>
          %dma_start3A_195 = arith.constant 0 : i32
          %dma_start3A_196 = arith.constant 0 : i32
          %dma_start3A_197 = tpu.memref_slice %arg16[%dma_start3A_195, %dma_start3A_196] : memref<10000x128xf32, #tpu.memory_space<vmem_shared>> -> memref<10000x128xf32, #tpu.memory_space<vmem_shared>>
          tpu.enqueue_indirect_dma source(%arg12 : memref<128x128xf32, #tpu.memory_space<vmem>>) target(%dma_start3A_197 : memref<10000x128xf32, #tpu.memory_space<vmem_shared>>) offsets(%dma_start3A_194 : memref<128xi32, #tpu.memory_space<vmem>>) semaphore(%run_scoped3A_191 : memref<!tpu.dma_semaphore, #tpu.memory_space<semaphore_mem>>) {add = true}
          %dma_wait3A_198 = arith.constant 0 : i32
          %dma_wait3A_199 = tpu.memref_slice %arg11[%run_scoped3A, %dma_wait3A_198] : memref<4x128xi32, #tpu.memory_space<vmem>> -> memref<1x128xi32, #tpu.memory_space<vmem>>
          %dma_wait3A_200 = tpu.memref_squeeze %dma_wait3A_199 : memref<1x128xi32, #tpu.memory_space<vmem>> -> memref<128xi32, #tpu.memory_space<vmem>>
          %dma_wait3A_201 = arith.constant 0 : i32
          %dma_wait3A_202 = arith.constant 0 : i32
          %dma_wait3A_203 = tpu.memref_slice %arg16[%dma_wait3A_201, %dma_wait3A_202] : memref<10000x128xf32, #tpu.memory_space<vmem_shared>> -> memref<10000x128xf32, #tpu.memory_space<vmem_shared>>
          tpu.wait_indirect_dma semaphore(%run_scoped3A_191 : memref<!tpu.dma_semaphore, #tpu.memory_space<semaphore_mem>>) src(%arg12 : memref<128x128xf32, #tpu.memory_space<vmem>>) dst(%dma_wait3A_203 : memref<10000x128xf32, #tpu.memory_space<vmem_shared>>)
          tpu.yield
        }) : () -> ()
        %run_scoped3A_140 = arith.constant 0 : i32
        "tpu.region"() ({
          %run_scoped3A_191 = tpu.sem_alloc : memref<!tpu.dma_semaphore, #tpu.memory_space<semaphore_mem>>
          %dma_start3A_192 = arith.constant 0 : i32
          %dma_start3A_193 = tpu.memref_slice %arg11[%run_scoped3A_140, %dma_start3A_192] : memref<4x128xi32, #tpu.memory_space<vmem>> -> memref<1x128xi32, #tpu.memory_space<vmem>>
          %dma_start3A_194 = tpu.memref_squeeze %dma_start3A_193 : memref<1x128xi32, #tpu.memory_space<vmem>> -> memref<128xi32, #tpu.memory_space<vmem>>
          %dma_start3A_195 = arith.constant 0 : i32
          %dma_start3A_196 = arith.constant 0 : i32
          %dma_start3A_197 = tpu.memref_slice %arg17[%dma_start3A_195, %dma_start3A_196] : memref<10000x16xf32, #tpu.memory_space<vmem_shared>> -> memref<10000x16xf32, #tpu.memory_space<vmem_shared>>
          tpu.enqueue_indirect_dma source(%arg14 : memref<128x16xf32, #tpu.memory_space<vmem>>) target(%dma_start3A_197 : memref<10000x16xf32, #tpu.memory_space<vmem_shared>>) offsets(%dma_start3A_194 : memref<128xi32, #tpu.memory_space<vmem>>) semaphore(%run_scoped3A_191 : memref<!tpu.dma_semaphore, #tpu.memory_space<semaphore_mem>>) {add = true}
          %dma_wait3A_198 = arith.constant 0 : i32
          %dma_wait3A_199 = tpu.memref_slice %arg11[%run_scoped3A_140, %dma_wait3A_198] : memref<4x128xi32, #tpu.memory_space<vmem>> -> memref<1x128xi32, #tpu.memory_space<vmem>>
          %dma_wait3A_200 = tpu.memref_squeeze %dma_wait3A_199 : memref<1x128xi32, #tpu.memory_space<vmem>> -> memref<128xi32, #tpu.memory_space<vmem>>
          %dma_wait3A_201 = arith.constant 0 : i32
          %dma_wait3A_202 = arith.constant 0 : i32
          %dma_wait3A_203 = tpu.memref_slice %arg17[%dma_wait3A_201, %dma_wait3A_202] : memref<10000x16xf32, #tpu.memory_space<vmem_shared>> -> memref<10000x16xf32, #tpu.memory_space<vmem_shared>>
          tpu.wait_indirect_dma semaphore(%run_scoped3A_191 : memref<!tpu.dma_semaphore, #tpu.memory_space<semaphore_mem>>) src(%arg14 : memref<128x16xf32, #tpu.memory_space<vmem>>) dst(%dma_wait3A_203 : memref<10000x16xf32, #tpu.memory_space<vmem_shared>>)
          tpu.yield
        }) : () -> ()
        %dma_wait3A_141 = arith.constant 1 : i32
        %dma_wait3A_142 = arith.constant 0 : i32
        %dma_wait3A_143 = tpu.memref_slice %arg10[%dma_wait3A_141, %dma_wait3A_142] : memref<4x128xi32, #tpu.memory_space<vmem>> -> memref<1x128xi32, #tpu.memory_space<vmem>>
        %dma_wait3A_144 = tpu.memref_squeeze %dma_wait3A_143 : memref<1x128xi32, #tpu.memory_space<vmem>> -> memref<128xi32, #tpu.memory_space<vmem>>
        %dma_wait3A_145 = arith.constant 0 : i32
        %dma_wait3A_146 = arith.constant 0 : i32
        %dma_wait3A_147 = tpu.memref_slice %arg3[%dma_wait3A_145, %dma_wait3A_146] : memref<10000x128xf32, #tpu.memory_space<hbm>> -> memref<10000x128xf32, #tpu.memory_space<hbm>>
        tpu.wait_indirect_dma semaphore(%arg19 : memref<!tpu.dma_semaphore, #tpu.memory_space<semaphore_mem>>) src(%dma_wait3A_147 : memref<10000x128xf32, #tpu.memory_space<hbm>>) dst(%arg13 : memref<128x128xf32, #tpu.memory_space<vmem>>)
        %dma_start3A_148 = arith.constant 2 : i32
        %dma_start3A_149 = arith.constant 0 : i32
        %dma_start3A_150 = tpu.memref_slice %arg10[%dma_start3A_148, %dma_start3A_149] : memref<4x128xi32, #tpu.memory_space<vmem>> -> memref<1x128xi32, #tpu.memory_space<vmem>>
        %dma_start3A_151 = tpu.memref_squeeze %dma_start3A_150 : memref<1x128xi32, #tpu.memory_space<vmem>> -> memref<128xi32, #tpu.memory_space<vmem>>
        %dma_start3A_152 = arith.constant 0 : i32
        %dma_start3A_153 = arith.constant 0 : i32
        %dma_start3A_154 = tpu.memref_slice %arg3[%dma_start3A_152, %dma_start3A_153] : memref<10000x128xf32, #tpu.memory_space<hbm>> -> memref<10000x128xf32, #tpu.memory_space<hbm>>
        tpu.enqueue_indirect_dma source(%dma_start3A_154 : memref<10000x128xf32, #tpu.memory_space<hbm>>) target(%arg12 : memref<128x128xf32, #tpu.memory_space<vmem>>) offsets(%dma_start3A_151 : memref<128xi32, #tpu.memory_space<vmem>>) semaphore(%arg18 : memref<!tpu.dma_semaphore, #tpu.memory_space<semaphore_mem>>)
        %run_scoped3A_155 = arith.constant 1 : i32
        "tpu.region"() ({
          %run_scoped3A_191 = tpu.sem_alloc : memref<!tpu.dma_semaphore, #tpu.memory_space<semaphore_mem>>
          %dma_start3A_192 = arith.constant 0 : i32
          %dma_start3A_193 = tpu.memref_slice %arg11[%run_scoped3A_155, %dma_start3A_192] : memref<4x128xi32, #tpu.memory_space<vmem>> -> memref<1x128xi32, #tpu.memory_space<vmem>>
          %dma_start3A_194 = tpu.memref_squeeze %dma_start3A_193 : memref<1x128xi32, #tpu.memory_space<vmem>> -> memref<128xi32, #tpu.memory_space<vmem>>
          %dma_start3A_195 = arith.constant 0 : i32
          %dma_start3A_196 = arith.constant 0 : i32
          %dma_start3A_197 = tpu.memref_slice %arg16[%dma_start3A_195, %dma_start3A_196] : memref<10000x128xf32, #tpu.memory_space<vmem_shared>> -> memref<10000x128xf32, #tpu.memory_space<vmem_shared>>
          tpu.enqueue_indirect_dma source(%arg13 : memref<128x128xf32, #tpu.memory_space<vmem>>) target(%dma_start3A_197 : memref<10000x128xf32, #tpu.memory_space<vmem_shared>>) offsets(%dma_start3A_194 : memref<128xi32, #tpu.memory_space<vmem>>) semaphore(%run_scoped3A_191 : memref<!tpu.dma_semaphore, #tpu.memory_space<semaphore_mem>>) {add = true}
          %dma_wait3A_198 = arith.constant 0 : i32
          %dma_wait3A_199 = tpu.memref_slice %arg11[%run_scoped3A_155, %dma_wait3A_198] : memref<4x128xi32, #tpu.memory_space<vmem>> -> memref<1x128xi32, #tpu.memory_space<vmem>>
          %dma_wait3A_200 = tpu.memref_squeeze %dma_wait3A_199 : memref<1x128xi32, #tpu.memory_space<vmem>> -> memref<128xi32, #tpu.memory_space<vmem>>
          %dma_wait3A_201 = arith.constant 0 : i32
          %dma_wait3A_202 = arith.constant 0 : i32
          %dma_wait3A_203 = tpu.memref_slice %arg16[%dma_wait3A_201, %dma_wait3A_202] : memref<10000x128xf32, #tpu.memory_space<vmem_shared>> -> memref<10000x128xf32, #tpu.memory_space<vmem_shared>>
          tpu.wait_indirect_dma semaphore(%run_scoped3A_191 : memref<!tpu.dma_semaphore, #tpu.memory_space<semaphore_mem>>) src(%arg13 : memref<128x128xf32, #tpu.memory_space<vmem>>) dst(%dma_wait3A_203 : memref<10000x128xf32, #tpu.memory_space<vmem_shared>>)
          tpu.yield
        }) : () -> ()
        %run_scoped3A_156 = arith.constant 1 : i32
        "tpu.region"() ({
          %run_scoped3A_191 = tpu.sem_alloc : memref<!tpu.dma_semaphore, #tpu.memory_space<semaphore_mem>>
          %dma_start3A_192 = arith.constant 0 : i32
          %dma_start3A_193 = tpu.memref_slice %arg11[%run_scoped3A_156, %dma_start3A_192] : memref<4x128xi32, #tpu.memory_space<vmem>> -> memref<1x128xi32, #tpu.memory_space<vmem>>
          %dma_start3A_194 = tpu.memref_squeeze %dma_start3A_193 : memref<1x128xi32, #tpu.memory_space<vmem>> -> memref<128xi32, #tpu.memory_space<vmem>>
          %dma_start3A_195 = arith.constant 0 : i32
          %dma_start3A_196 = arith.constant 0 : i32
          %dma_start3A_197 = tpu.memref_slice %arg17[%dma_start3A_195, %dma_start3A_196] : memref<10000x16xf32, #tpu.memory_space<vmem_shared>> -> memref<10000x16xf32, #tpu.memory_space<vmem_shared>>
          tpu.enqueue_indirect_dma source(%arg14 : memref<128x16xf32, #tpu.memory_space<vmem>>) target(%dma_start3A_197 : memref<10000x16xf32, #tpu.memory_space<vmem_shared>>) offsets(%dma_start3A_194 : memref<128xi32, #tpu.memory_space<vmem>>) semaphore(%run_scoped3A_191 : memref<!tpu.dma_semaphore, #tpu.memory_space<semaphore_mem>>) {add = true}
          %dma_wait3A_198 = arith.constant 0 : i32
          %dma_wait3A_199 = tpu.memref_slice %arg11[%run_scoped3A_156, %dma_wait3A_198] : memref<4x128xi32, #tpu.memory_space<vmem>> -> memref<1x128xi32, #tpu.memory_space<vmem>>
          %dma_wait3A_200 = tpu.memref_squeeze %dma_wait3A_199 : memref<1x128xi32, #tpu.memory_space<vmem>> -> memref<128xi32, #tpu.memory_space<vmem>>
          %dma_wait3A_201 = arith.constant 0 : i32
          %dma_wait3A_202 = arith.constant 0 : i32
          %dma_wait3A_203 = tpu.memref_slice %arg17[%dma_wait3A_201, %dma_wait3A_202] : memref<10000x16xf32, #tpu.memory_space<vmem_shared>> -> memref<10000x16xf32, #tpu.memory_space<vmem_shared>>
          tpu.wait_indirect_dma semaphore(%run_scoped3A_191 : memref<!tpu.dma_semaphore, #tpu.memory_space<semaphore_mem>>) src(%arg14 : memref<128x16xf32, #tpu.memory_space<vmem>>) dst(%dma_wait3A_203 : memref<10000x16xf32, #tpu.memory_space<vmem_shared>>)
          tpu.yield
        }) : () -> ()
        %dma_wait3A_157 = arith.constant 2 : i32
        %dma_wait3A_158 = arith.constant 0 : i32
        %dma_wait3A_159 = tpu.memref_slice %arg10[%dma_wait3A_157, %dma_wait3A_158] : memref<4x128xi32, #tpu.memory_space<vmem>> -> memref<1x128xi32, #tpu.memory_space<vmem>>
        %dma_wait3A_160 = tpu.memref_squeeze %dma_wait3A_159 : memref<1x128xi32, #tpu.memory_space<vmem>> -> memref<128xi32, #tpu.memory_space<vmem>>
        %dma_wait3A_161 = arith.constant 0 : i32
        %dma_wait3A_162 = arith.constant 0 : i32
        %dma_wait3A_163 = tpu.memref_slice %arg3[%dma_wait3A_161, %dma_wait3A_162] : memref<10000x128xf32, #tpu.memory_space<hbm>> -> memref<10000x128xf32, #tpu.memory_space<hbm>>
        tpu.wait_indirect_dma semaphore(%arg18 : memref<!tpu.dma_semaphore, #tpu.memory_space<semaphore_mem>>) src(%dma_wait3A_163 : memref<10000x128xf32, #tpu.memory_space<hbm>>) dst(%arg12 : memref<128x128xf32, #tpu.memory_space<vmem>>)
        %dma_start3A_164 = arith.constant 3 : i32
        %dma_start3A_165 = arith.constant 0 : i32
        %dma_start3A_166 = tpu.memref_slice %arg10[%dma_start3A_164, %dma_start3A_165] : memref<4x128xi32, #tpu.memory_space<vmem>> -> memref<1x128xi32, #tpu.memory_space<vmem>>
        %dma_start3A_167 = tpu.memref_squeeze %dma_start3A_166 : memref<1x128xi32, #tpu.memory_space<vmem>> -> memref<128xi32, #tpu.memory_space<vmem>>
        %dma_start3A_168 = arith.constant 0 : i32
        %dma_start3A_169 = arith.constant 0 : i32
        %dma_start3A_170 = tpu.memref_slice %arg3[%dma_start3A_168, %dma_start3A_169] : memref<10000x128xf32, #tpu.memory_space<hbm>> -> memref<10000x128xf32, #tpu.memory_space<hbm>>
        tpu.enqueue_indirect_dma source(%dma_start3A_170 : memref<10000x128xf32, #tpu.memory_space<hbm>>) target(%arg13 : memref<128x128xf32, #tpu.memory_space<vmem>>) offsets(%dma_start3A_167 : memref<128xi32, #tpu.memory_space<vmem>>) semaphore(%arg19 : memref<!tpu.dma_semaphore, #tpu.memory_space<semaphore_mem>>)
        %run_scoped3A_171 = arith.constant 2 : i32
        "tpu.region"() ({
          %run_scoped3A_191 = tpu.sem_alloc : memref<!tpu.dma_semaphore, #tpu.memory_space<semaphore_mem>>
          %dma_start3A_192 = arith.constant 0 : i32
          %dma_start3A_193 = tpu.memref_slice %arg11[%run_scoped3A_171, %dma_start3A_192] : memref<4x128xi32, #tpu.memory_space<vmem>> -> memref<1x128xi32, #tpu.memory_space<vmem>>
          %dma_start3A_194 = tpu.memref_squeeze %dma_start3A_193 : memref<1x128xi32, #tpu.memory_space<vmem>> -> memref<128xi32, #tpu.memory_space<vmem>>
          %dma_start3A_195 = arith.constant 0 : i32
          %dma_start3A_196 = arith.constant 0 : i32
          %dma_start3A_197 = tpu.memref_slice %arg16[%dma_start3A_195, %dma_start3A_196] : memref<10000x128xf32, #tpu.memory_space<vmem_shared>> -> memref<10000x128xf32, #tpu.memory_space<vmem_shared>>
          tpu.enqueue_indirect_dma source(%arg12 : memref<128x128xf32, #tpu.memory_space<vmem>>) target(%dma_start3A_197 : memref<10000x128xf32, #tpu.memory_space<vmem_shared>>) offsets(%dma_start3A_194 : memref<128xi32, #tpu.memory_space<vmem>>) semaphore(%run_scoped3A_191 : memref<!tpu.dma_semaphore, #tpu.memory_space<semaphore_mem>>) {add = true}
          %dma_wait3A_198 = arith.constant 0 : i32
          %dma_wait3A_199 = tpu.memref_slice %arg11[%run_scoped3A_171, %dma_wait3A_198] : memref<4x128xi32, #tpu.memory_space<vmem>> -> memref<1x128xi32, #tpu.memory_space<vmem>>
          %dma_wait3A_200 = tpu.memref_squeeze %dma_wait3A_199 : memref<1x128xi32, #tpu.memory_space<vmem>> -> memref<128xi32, #tpu.memory_space<vmem>>
          %dma_wait3A_201 = arith.constant 0 : i32
          %dma_wait3A_202 = arith.constant 0 : i32
          %dma_wait3A_203 = tpu.memref_slice %arg16[%dma_wait3A_201, %dma_wait3A_202] : memref<10000x128xf32, #tpu.memory_space<vmem_shared>> -> memref<10000x128xf32, #tpu.memory_space<vmem_shared>>
          tpu.wait_indirect_dma semaphore(%run_scoped3A_191 : memref<!tpu.dma_semaphore, #tpu.memory_space<semaphore_mem>>) src(%arg12 : memref<128x128xf32, #tpu.memory_space<vmem>>) dst(%dma_wait3A_203 : memref<10000x128xf32, #tpu.memory_space<vmem_shared>>)
          tpu.yield
        }) : () -> ()
        %run_scoped3A_172 = arith.constant 2 : i32
        "tpu.region"() ({
          %run_scoped3A_191 = tpu.sem_alloc : memref<!tpu.dma_semaphore, #tpu.memory_space<semaphore_mem>>
          %dma_start3A_192 = arith.constant 0 : i32
          %dma_start3A_193 = tpu.memref_slice %arg11[%run_scoped3A_172, %dma_start3A_192] : memref<4x128xi32, #tpu.memory_space<vmem>> -> memref<1x128xi32, #tpu.memory_space<vmem>>
          %dma_start3A_194 = tpu.memref_squeeze %dma_start3A_193 : memref<1x128xi32, #tpu.memory_space<vmem>> -> memref<128xi32, #tpu.memory_space<vmem>>
          %dma_start3A_195 = arith.constant 0 : i32
          %dma_start3A_196 = arith.constant 0 : i32
          %dma_start3A_197 = tpu.memref_slice %arg17[%dma_start3A_195, %dma_start3A_196] : memref<10000x16xf32, #tpu.memory_space<vmem_shared>> -> memref<10000x16xf32, #tpu.memory_space<vmem_shared>>
          tpu.enqueue_indirect_dma source(%arg14 : memref<128x16xf32, #tpu.memory_space<vmem>>) target(%dma_start3A_197 : memref<10000x16xf32, #tpu.memory_space<vmem_shared>>) offsets(%dma_start3A_194 : memref<128xi32, #tpu.memory_space<vmem>>) semaphore(%run_scoped3A_191 : memref<!tpu.dma_semaphore, #tpu.memory_space<semaphore_mem>>) {add = true}
          %dma_wait3A_198 = arith.constant 0 : i32
          %dma_wait3A_199 = tpu.memref_slice %arg11[%run_scoped3A_172, %dma_wait3A_198] : memref<4x128xi32, #tpu.memory_space<vmem>> -> memref<1x128xi32, #tpu.memory_space<vmem>>
          %dma_wait3A_200 = tpu.memref_squeeze %dma_wait3A_199 : memref<1x128xi32, #tpu.memory_space<vmem>> -> memref<128xi32, #tpu.memory_space<vmem>>
          %dma_wait3A_201 = arith.constant 0 : i32
          %dma_wait3A_202 = arith.constant 0 : i32
          %dma_wait3A_203 = tpu.memref_slice %arg17[%dma_wait3A_201, %dma_wait3A_202] : memref<10000x16xf32, #tpu.memory_space<vmem_shared>> -> memref<10000x16xf32, #tpu.memory_space<vmem_shared>>
          tpu.wait_indirect_dma semaphore(%run_scoped3A_191 : memref<!tpu.dma_semaphore, #tpu.memory_space<semaphore_mem>>) src(%arg14 : memref<128x16xf32, #tpu.memory_space<vmem>>) dst(%dma_wait3A_203 : memref<10000x16xf32, #tpu.memory_space<vmem_shared>>)
          tpu.yield
        }) : () -> ()
        %dma_wait3A_173 = arith.constant 3 : i32
        %dma_wait3A_174 = arith.constant 0 : i32
        %dma_wait3A_175 = tpu.memref_slice %arg10[%dma_wait3A_173, %dma_wait3A_174] : memref<4x128xi32, #tpu.memory_space<vmem>> -> memref<1x128xi32, #tpu.memory_space<vmem>>
        %dma_wait3A_176 = tpu.memref_squeeze %dma_wait3A_175 : memref<1x128xi32, #tpu.memory_space<vmem>> -> memref<128xi32, #tpu.memory_space<vmem>>
        %dma_wait3A_177 = arith.constant 0 : i32
        %dma_wait3A_178 = arith.constant 0 : i32
        %dma_wait3A_179 = tpu.memref_slice %arg3[%dma_wait3A_177, %dma_wait3A_178] : memref<10000x128xf32, #tpu.memory_space<hbm>> -> memref<10000x128xf32, #tpu.memory_space<hbm>>
        tpu.wait_indirect_dma semaphore(%arg19 : memref<!tpu.dma_semaphore, #tpu.memory_space<semaphore_mem>>) src(%dma_wait3A_179 : memref<10000x128xf32, #tpu.memory_space<hbm>>) dst(%arg13 : memref<128x128xf32, #tpu.memory_space<vmem>>)
        %lt3A = arith.constant 38 : i32
        %lt3A_180 = arith.cmpi slt, %scan3A_126, %lt3A : i32
        %convert_element_type3A_181 = arith.extui %lt3A_180 : i1 to i32
        %cond3A_182 = arith.constant 0 : i32
        %cond3A_183 = arith.cmpi ne, %convert_element_type3A_181, %cond3A_182 : i32
        scf.if %cond3A_183 {
          %add3A_191 = arith.constant 1 : i32
          %add3A_192 = arith.addi %scan3A_126, %add3A_191 : i32
          %mul3A_193 = arith.constant 4 : i32
          %mul3A_194 = arith.muli %add3A_192, %mul3A_193 : i32
          %add3A_195 = arith.addi %select_n3A, %mul3A_194 : i32
          "tpu.region"() ({
            %run_scoped3A_203 = tpu.sem_alloc : memref<!tpu.dma_semaphore, #tpu.memory_space<semaphore_mem>>
            %dma_start3A_204 = arith.constant 0 : i32
            %dma_start3A_205 = tpu.memref_slice %arg6[%add3A_195, %dma_start3A_204] : memref<2500x128xi32, #tpu.memory_space<hbm>> -> memref<4x128xi32, #tpu.memory_space<hbm>>
            %dma_start3A_206 = arith.constant 0 : i32
            %dma_start3A_207 = tpu.memref_slice %arg6[%add3A_195, %dma_start3A_206] : memref<2500x128xi32, #tpu.memory_space<hbm>> -> memref<4x128xi32, #tpu.memory_space<hbm>>
            tpu.enqueue_dma source(%dma_start3A_207 : memref<4x128xi32, #tpu.memory_space<hbm>>) target(%arg10 : memref<4x128xi32, #tpu.memory_space<vmem>>) target_semaphore(%run_scoped3A_203 : memref<!tpu.dma_semaphore, #tpu.memory_space<semaphore_mem>>)
            %dma_wait3A_208 = arith.constant 0 : i32
            %dma_wait3A_209 = tpu.memref_slice %arg6[%add3A_195, %dma_wait3A_208] : memref<2500x128xi32, #tpu.memory_space<hbm>> -> memref<4x128xi32, #tpu.memory_space<hbm>>
            %dma_wait3A_210 = arith.constant 0 : i32
            %dma_wait3A_211 = tpu.memref_slice %arg6[%add3A_195, %dma_wait3A_210] : memref<2500x128xi32, #tpu.memory_space<hbm>> -> memref<4x128xi32, #tpu.memory_space<hbm>>
            tpu.wait_dma2 semaphore(%run_scoped3A_203 : memref<!tpu.dma_semaphore, #tpu.memory_space<semaphore_mem>>) src(%dma_wait3A_211 : memref<4x128xi32, #tpu.memory_space<hbm>>) dst(%arg10 : memref<4x128xi32, #tpu.memory_space<vmem>>)
            tpu.yield
          }) : () -> ()
          %dma_start3A_196 = arith.constant 0 : i32
          %dma_start3A_197 = arith.constant 0 : i32
          %dma_start3A_198 = tpu.memref_slice %arg10[%dma_start3A_196, %dma_start3A_197] : memref<4x128xi32, #tpu.memory_space<vmem>> -> memref<1x128xi32, #tpu.memory_space<vmem>>
          %dma_start3A_199 = tpu.memref_squeeze %dma_start3A_198 : memref<1x128xi32, #tpu.memory_space<vmem>> -> memref<128xi32, #tpu.memory_space<vmem>>
          %dma_start3A_200 = arith.constant 0 : i32
          %dma_start3A_201 = arith.constant 0 : i32
          %dma_start3A_202 = tpu.memref_slice %arg3[%dma_start3A_200, %dma_start3A_201] : memref<10000x128xf32, #tpu.memory_space<hbm>> -> memref<10000x128xf32, #tpu.memory_space<hbm>>
          tpu.enqueue_indirect_dma source(%dma_start3A_202 : memref<10000x128xf32, #tpu.memory_space<hbm>>) target(%arg12 : memref<128x128xf32, #tpu.memory_space<vmem>>) offsets(%dma_start3A_199 : memref<128xi32, #tpu.memory_space<vmem>>) semaphore(%arg18 : memref<!tpu.dma_semaphore, #tpu.memory_space<semaphore_mem>>)
        } else {
        }
        %run_scoped3A_184 = arith.constant 3 : i32
        "tpu.region"() ({
          %run_scoped3A_191 = tpu.sem_alloc : memref<!tpu.dma_semaphore, #tpu.memory_space<semaphore_mem>>
          %dma_start3A_192 = arith.constant 0 : i32
          %dma_start3A_193 = tpu.memref_slice %arg11[%run_scoped3A_184, %dma_start3A_192] : memref<4x128xi32, #tpu.memory_space<vmem>> -> memref<1x128xi32, #tpu.memory_space<vmem>>
          %dma_start3A_194 = tpu.memref_squeeze %dma_start3A_193 : memref<1x128xi32, #tpu.memory_space<vmem>> -> memref<128xi32, #tpu.memory_space<vmem>>
          %dma_start3A_195 = arith.constant 0 : i32
          %dma_start3A_196 = arith.constant 0 : i32
          %dma_start3A_197 = tpu.memref_slice %arg16[%dma_start3A_195, %dma_start3A_196] : memref<10000x128xf32, #tpu.memory_space<vmem_shared>> -> memref<10000x128xf32, #tpu.memory_space<vmem_shared>>
          tpu.enqueue_indirect_dma source(%arg13 : memref<128x128xf32, #tpu.memory_space<vmem>>) target(%dma_start3A_197 : memref<10000x128xf32, #tpu.memory_space<vmem_shared>>) offsets(%dma_start3A_194 : memref<128xi32, #tpu.memory_space<vmem>>) semaphore(%run_scoped3A_191 : memref<!tpu.dma_semaphore, #tpu.memory_space<semaphore_mem>>) {add = true}
          %dma_wait3A_198 = arith.constant 0 : i32
          %dma_wait3A_199 = tpu.memref_slice %arg11[%run_scoped3A_184, %dma_wait3A_198] : memref<4x128xi32, #tpu.memory_space<vmem>> -> memref<1x128xi32, #tpu.memory_space<vmem>>
          %dma_wait3A_200 = tpu.memref_squeeze %dma_wait3A_199 : memref<1x128xi32, #tpu.memory_space<vmem>> -> memref<128xi32, #tpu.memory_space<vmem>>
          %dma_wait3A_201 = arith.constant 0 : i32
          %dma_wait3A_202 = arith.constant 0 : i32
          %dma_wait3A_203 = tpu.memref_slice %arg16[%dma_wait3A_201, %dma_wait3A_202] : memref<10000x128xf32, #tpu.memory_space<vmem_shared>> -> memref<10000x128xf32, #tpu.memory_space<vmem_shared>>
          tpu.wait_indirect_dma semaphore(%run_scoped3A_191 : memref<!tpu.dma_semaphore, #tpu.memory_space<semaphore_mem>>) src(%arg13 : memref<128x128xf32, #tpu.memory_space<vmem>>) dst(%dma_wait3A_203 : memref<10000x128xf32, #tpu.memory_space<vmem_shared>>)
          tpu.yield
        }) : () -> ()
        %run_scoped3A_185 = arith.constant 3 : i32
        "tpu.region"() ({
          %run_scoped3A_191 = tpu.sem_alloc : memref<!tpu.dma_semaphore, #tpu.memory_space<semaphore_mem>>
          %dma_start3A_192 = arith.constant 0 : i32
          %dma_start3A_193 = tpu.memref_slice %arg11[%run_scoped3A_185, %dma_start3A_192] : memref<4x128xi32, #tpu.memory_space<vmem>> -> memref<1x128xi32, #tpu.memory_space<vmem>>
          %dma_start3A_194 = tpu.memref_squeeze %dma_start3A_193 : memref<1x128xi32, #tpu.memory_space<vmem>> -> memref<128xi32, #tpu.memory_space<vmem>>
          %dma_start3A_195 = arith.constant 0 : i32
          %dma_start3A_196 = arith.constant 0 : i32
          %dma_start3A_197 = tpu.memref_slice %arg17[%dma_start3A_195, %dma_start3A_196] : memref<10000x16xf32, #tpu.memory_space<vmem_shared>> -> memref<10000x16xf32, #tpu.memory_space<vmem_shared>>
          tpu.enqueue_indirect_dma source(%arg14 : memref<128x16xf32, #tpu.memory_space<vmem>>) target(%dma_start3A_197 : memref<10000x16xf32, #tpu.memory_space<vmem_shared>>) offsets(%dma_start3A_194 : memref<128xi32, #tpu.memory_space<vmem>>) semaphore(%run_scoped3A_191 : memref<!tpu.dma_semaphore, #tpu.memory_space<semaphore_mem>>) {add = true}
          %dma_wait3A_198 = arith.constant 0 : i32
          %dma_wait3A_199 = tpu.memref_slice %arg11[%run_scoped3A_185, %dma_wait3A_198] : memref<4x128xi32, #tpu.memory_space<vmem>> -> memref<1x128xi32, #tpu.memory_space<vmem>>
          %dma_wait3A_200 = tpu.memref_squeeze %dma_wait3A_199 : memref<1x128xi32, #tpu.memory_space<vmem>> -> memref<128xi32, #tpu.memory_space<vmem>>
          %dma_wait3A_201 = arith.constant 0 : i32
          %dma_wait3A_202 = arith.constant 0 : i32
          %dma_wait3A_203 = tpu.memref_slice %arg17[%dma_wait3A_201, %dma_wait3A_202] : memref<10000x16xf32, #tpu.memory_space<vmem_shared>> -> memref<10000x16xf32, #tpu.memory_space<vmem_shared>>
          tpu.wait_indirect_dma semaphore(%run_scoped3A_191 : memref<!tpu.dma_semaphore, #tpu.memory_space<semaphore_mem>>) src(%arg14 : memref<128x16xf32, #tpu.memory_space<vmem>>) dst(%dma_wait3A_203 : memref<10000x16xf32, #tpu.memory_space<vmem_shared>>)
          tpu.yield
        }) : () -> ()
        %lt3A_186 = arith.constant 38 : i32
        %lt3A_187 = arith.cmpi slt, %scan3A_126, %lt3A_186 : i32
        %convert_element_type3A_188 = arith.extui %lt3A_187 : i1 to i32
        %cond3A_189 = arith.constant 0 : i32
        %cond3A_190 = arith.cmpi ne, %convert_element_type3A_188, %cond3A_189 : i32
        scf.if %cond3A_190 {
          %add3A_191 = arith.constant 1 : i32
          %add3A_192 = arith.addi %scan3A_126, %add3A_191 : i32
          %mul3A_193 = arith.constant 4 : i32
          %mul3A_194 = arith.muli %add3A_192, %mul3A_193 : i32
          %add3A_195 = arith.addi %select_n3A, %mul3A_194 : i32
          "tpu.region"() ({
            %run_scoped3A_196 = tpu.sem_alloc : memref<!tpu.dma_semaphore, #tpu.memory_space<semaphore_mem>>
            %dma_start3A_197 = arith.constant 0 : i32
            %dma_start3A_198 = tpu.memref_slice %arg7[%add3A_195, %dma_start3A_197] : memref<2500x128xi32, #tpu.memory_space<hbm>> -> memref<4x128xi32, #tpu.memory_space<hbm>>
            %dma_start3A_199 = arith.constant 0 : i32
            %dma_start3A_200 = tpu.memref_slice %arg7[%add3A_195, %dma_start3A_199] : memref<2500x128xi32, #tpu.memory_space<hbm>> -> memref<4x128xi32, #tpu.memory_space<hbm>>
            tpu.enqueue_dma source(%dma_start3A_200 : memref<4x128xi32, #tpu.memory_space<hbm>>) target(%arg11 : memref<4x128xi32, #tpu.memory_space<vmem>>) target_semaphore(%run_scoped3A_196 : memref<!tpu.dma_semaphore, #tpu.memory_space<semaphore_mem>>)
            %dma_wait3A_201 = arith.constant 0 : i32
            %dma_wait3A_202 = tpu.memref_slice %arg7[%add3A_195, %dma_wait3A_201] : memref<2500x128xi32, #tpu.memory_space<hbm>> -> memref<4x128xi32, #tpu.memory_space<hbm>>
            %dma_wait3A_203 = arith.constant 0 : i32
            %dma_wait3A_204 = tpu.memref_slice %arg7[%add3A_195, %dma_wait3A_203] : memref<2500x128xi32, #tpu.memory_space<hbm>> -> memref<4x128xi32, #tpu.memory_space<hbm>>
            tpu.wait_dma2 semaphore(%run_scoped3A_196 : memref<!tpu.dma_semaphore, #tpu.memory_space<semaphore_mem>>) src(%dma_wait3A_204 : memref<4x128xi32, #tpu.memory_space<hbm>>) dst(%arg11 : memref<4x128xi32, #tpu.memory_space<vmem>>)
            tpu.yield
          }) : () -> ()
        } else {
        }
      }
      %scan3A_120 = arith.constant 39 : i32
      %eq3A_121 = arith.constant 157 : i32
      %eq3A_122 = arith.cmpi eq, %sub3A_92, %eq3A_121 : i32
      %convert_element_type3A_123 = arith.extui %eq3A_122 : i1 to i32
      %cond3A_124 = arith.constant 0 : i32
      %cond3A_125 = arith.cmpi ne, %convert_element_type3A_123, %cond3A_124 : i32
      scf.if %cond3A_125 {
        %add3A_126 = arith.constant 156 : i32
        %add3A_127 = arith.addi %select_n3A, %add3A_126 : i32
        "tpu.region"() ({
          %run_scoped3A_144 = tpu.sem_alloc : memref<!tpu.dma_semaphore, #tpu.memory_space<semaphore_mem>>
          %dma_start3A_145 = arith.constant 0 : i32
          %dma_start3A_146 = arith.constant 0 : i32
          %dma_start3A_147 = tpu.memref_slice %arg10[%dma_start3A_145, %dma_start3A_146] : memref<4x128xi32, #tpu.memory_space<vmem>> -> memref<1x128xi32, #tpu.memory_space<vmem>>
          %dma_start3A_148 = arith.constant 0 : i32
          %dma_start3A_149 = tpu.memref_slice %arg6[%add3A_127, %dma_start3A_148] : memref<2500x128xi32, #tpu.memory_space<hbm>> -> memref<1x128xi32, #tpu.memory_space<hbm>>
          %dma_start3A_150 = arith.constant 0 : i32
          %dma_start3A_151 = arith.constant 0 : i32
          %dma_start3A_152 = tpu.memref_slice %arg10[%dma_start3A_150, %dma_start3A_151] : memref<4x128xi32, #tpu.memory_space<vmem>> -> memref<1x128xi32, #tpu.memory_space<vmem>>
          %dma_start3A_153 = arith.constant 0 : i32
          %dma_start3A_154 = tpu.memref_slice %arg6[%add3A_127, %dma_start3A_153] : memref<2500x128xi32, #tpu.memory_space<hbm>> -> memref<1x128xi32, #tpu.memory_space<hbm>>
          tpu.enqueue_dma source(%dma_start3A_154 : memref<1x128xi32, #tpu.memory_space<hbm>>) target(%dma_start3A_152 : memref<1x128xi32, #tpu.memory_space<vmem>>) target_semaphore(%run_scoped3A_144 : memref<!tpu.dma_semaphore, #tpu.memory_space<semaphore_mem>>)
          %dma_wait3A_155 = arith.constant 0 : i32
          %dma_wait3A_156 = arith.constant 0 : i32
          %dma_wait3A_157 = tpu.memref_slice %arg10[%dma_wait3A_155, %dma_wait3A_156] : memref<4x128xi32, #tpu.memory_space<vmem>> -> memref<1x128xi32, #tpu.memory_space<vmem>>
          %dma_wait3A_158 = arith.constant 0 : i32
          %dma_wait3A_159 = tpu.memref_slice %arg6[%add3A_127, %dma_wait3A_158] : memref<2500x128xi32, #tpu.memory_space<hbm>> -> memref<1x128xi32, #tpu.memory_space<hbm>>
          %dma_wait3A_160 = arith.constant 0 : i32
          %dma_wait3A_161 = arith.constant 0 : i32
          %dma_wait3A_162 = tpu.memref_slice %arg10[%dma_wait3A_160, %dma_wait3A_161] : memref<4x128xi32, #tpu.memory_space<vmem>> -> memref<1x128xi32, #tpu.memory_space<vmem>>
          %dma_wait3A_163 = arith.constant 0 : i32
          %dma_wait3A_164 = tpu.memref_slice %arg6[%add3A_127, %dma_wait3A_163] : memref<2500x128xi32, #tpu.memory_space<hbm>> -> memref<1x128xi32, #tpu.memory_space<hbm>>
          tpu.wait_dma2 semaphore(%run_scoped3A_144 : memref<!tpu.dma_semaphore, #tpu.memory_space<semaphore_mem>>) src(%dma_wait3A_164 : memref<1x128xi32, #tpu.memory_space<hbm>>) dst(%dma_wait3A_162 : memref<1x128xi32, #tpu.memory_space<vmem>>)
          tpu.yield
        }) : () -> ()
        %add3A_128 = arith.constant 156 : i32
        %add3A_129 = arith.addi %select_n3A, %add3A_128 : i32
        "tpu.region"() ({
          %run_scoped3A_144 = tpu.sem_alloc : memref<!tpu.dma_semaphore, #tpu.memory_space<semaphore_mem>>
          %dma_start3A_145 = arith.constant 0 : i32
          %dma_start3A_146 = arith.constant 0 : i32
          %dma_start3A_147 = tpu.memref_slice %arg11[%dma_start3A_145, %dma_start3A_146] : memref<4x128xi32, #tpu.memory_space<vmem>> -> memref<1x128xi32, #tpu.memory_space<vmem>>
          %dma_start3A_148 = arith.constant 0 : i32
          %dma_start3A_149 = tpu.memref_slice %arg7[%add3A_129, %dma_start3A_148] : memref<2500x128xi32, #tpu.memory_space<hbm>> -> memref<1x128xi32, #tpu.memory_space<hbm>>
          %dma_start3A_150 = arith.constant 0 : i32
          %dma_start3A_151 = arith.constant 0 : i32
          %dma_start3A_152 = tpu.memref_slice %arg11[%dma_start3A_150, %dma_start3A_151] : memref<4x128xi32, #tpu.memory_space<vmem>> -> memref<1x128xi32, #tpu.memory_space<vmem>>
          %dma_start3A_153 = arith.constant 0 : i32
          %dma_start3A_154 = tpu.memref_slice %arg7[%add3A_129, %dma_start3A_153] : memref<2500x128xi32, #tpu.memory_space<hbm>> -> memref<1x128xi32, #tpu.memory_space<hbm>>
          tpu.enqueue_dma source(%dma_start3A_154 : memref<1x128xi32, #tpu.memory_space<hbm>>) target(%dma_start3A_152 : memref<1x128xi32, #tpu.memory_space<vmem>>) target_semaphore(%run_scoped3A_144 : memref<!tpu.dma_semaphore, #tpu.memory_space<semaphore_mem>>)
          %dma_wait3A_155 = arith.constant 0 : i32
          %dma_wait3A_156 = arith.constant 0 : i32
          %dma_wait3A_157 = tpu.memref_slice %arg11[%dma_wait3A_155, %dma_wait3A_156] : memref<4x128xi32, #tpu.memory_space<vmem>> -> memref<1x128xi32, #tpu.memory_space<vmem>>
          %dma_wait3A_158 = arith.constant 0 : i32
          %dma_wait3A_159 = tpu.memref_slice %arg7[%add3A_129, %dma_wait3A_158] : memref<2500x128xi32, #tpu.memory_space<hbm>> -> memref<1x128xi32, #tpu.memory_space<hbm>>
          %dma_wait3A_160 = arith.constant 0 : i32
          %dma_wait3A_161 = arith.constant 0 : i32
          %dma_wait3A_162 = tpu.memref_slice %arg11[%dma_wait3A_160, %dma_wait3A_161] : memref<4x128xi32, #tpu.memory_space<vmem>> -> memref<1x128xi32, #tpu.memory_space<vmem>>
          %dma_wait3A_163 = arith.constant 0 : i32
          %dma_wait3A_164 = tpu.memref_slice %arg7[%add3A_129, %dma_wait3A_163] : memref<2500x128xi32, #tpu.memory_space<hbm>> -> memref<1x128xi32, #tpu.memory_space<hbm>>
          tpu.wait_dma2 semaphore(%run_scoped3A_144 : memref<!tpu.dma_semaphore, #tpu.memory_space<semaphore_mem>>) src(%dma_wait3A_164 : memref<1x128xi32, #tpu.memory_space<hbm>>) dst(%dma_wait3A_162 : memref<1x128xi32, #tpu.memory_space<vmem>>)
          tpu.yield
        }) : () -> ()
        %dma_start3A_130 = arith.constant 0 : i32
        %dma_start3A_131 = arith.constant 0 : i32
        %dma_start3A_132 = tpu.memref_slice %arg10[%dma_start3A_130, %dma_start3A_131] : memref<4x128xi32, #tpu.memory_space<vmem>> -> memref<1x128xi32, #tpu.memory_space<vmem>>
        %dma_start3A_133 = tpu.memref_squeeze %dma_start3A_132 : memref<1x128xi32, #tpu.memory_space<vmem>> -> memref<128xi32, #tpu.memory_space<vmem>>
        %dma_start3A_134 = arith.constant 0 : i32
        %dma_start3A_135 = arith.constant 0 : i32
        %dma_start3A_136 = tpu.memref_slice %arg3[%dma_start3A_134, %dma_start3A_135] : memref<10000x128xf32, #tpu.memory_space<hbm>> -> memref<10000x128xf32, #tpu.memory_space<hbm>>
        tpu.enqueue_indirect_dma source(%dma_start3A_136 : memref<10000x128xf32, #tpu.memory_space<hbm>>) target(%arg12 : memref<128x128xf32, #tpu.memory_space<vmem>>) offsets(%dma_start3A_133 : memref<128xi32, #tpu.memory_space<vmem>>) semaphore(%arg18 : memref<!tpu.dma_semaphore, #tpu.memory_space<semaphore_mem>>)
        %dma_wait3A = arith.constant 0 : i32
        %dma_wait3A_137 = arith.constant 0 : i32
        %dma_wait3A_138 = tpu.memref_slice %arg10[%dma_wait3A, %dma_wait3A_137] : memref<4x128xi32, #tpu.memory_space<vmem>> -> memref<1x128xi32, #tpu.memory_space<vmem>>
        %dma_wait3A_139 = tpu.memref_squeeze %dma_wait3A_138 : memref<1x128xi32, #tpu.memory_space<vmem>> -> memref<128xi32, #tpu.memory_space<vmem>>
        %dma_wait3A_140 = arith.constant 0 : i32
        %dma_wait3A_141 = arith.constant 0 : i32
        %dma_wait3A_142 = tpu.memref_slice %arg3[%dma_wait3A_140, %dma_wait3A_141] : memref<10000x128xf32, #tpu.memory_space<hbm>> -> memref<10000x128xf32, #tpu.memory_space<hbm>>
        tpu.wait_indirect_dma semaphore(%arg18 : memref<!tpu.dma_semaphore, #tpu.memory_space<semaphore_mem>>) src(%dma_wait3A_142 : memref<10000x128xf32, #tpu.memory_space<hbm>>) dst(%arg12 : memref<128x128xf32, #tpu.memory_space<vmem>>)
        %run_scoped3A = arith.constant 0 : i32
        "tpu.region"() ({
          %run_scoped3A_144 = tpu.sem_alloc : memref<!tpu.dma_semaphore, #tpu.memory_space<semaphore_mem>>
          %dma_start3A_145 = arith.constant 0 : i32
          %dma_start3A_146 = tpu.memref_slice %arg11[%run_scoped3A, %dma_start3A_145] : memref<4x128xi32, #tpu.memory_space<vmem>> -> memref<1x128xi32, #tpu.memory_space<vmem>>
          %dma_start3A_147 = tpu.memref_squeeze %dma_start3A_146 : memref<1x128xi32, #tpu.memory_space<vmem>> -> memref<128xi32, #tpu.memory_space<vmem>>
          %dma_start3A_148 = arith.constant 0 : i32
          %dma_start3A_149 = arith.constant 0 : i32
          %dma_start3A_150 = tpu.memref_slice %arg16[%dma_start3A_148, %dma_start3A_149] : memref<10000x128xf32, #tpu.memory_space<vmem_shared>> -> memref<10000x128xf32, #tpu.memory_space<vmem_shared>>
          tpu.enqueue_indirect_dma source(%arg12 : memref<128x128xf32, #tpu.memory_space<vmem>>) target(%dma_start3A_150 : memref<10000x128xf32, #tpu.memory_space<vmem_shared>>) offsets(%dma_start3A_147 : memref<128xi32, #tpu.memory_space<vmem>>) semaphore(%run_scoped3A_144 : memref<!tpu.dma_semaphore, #tpu.memory_space<semaphore_mem>>) {add = true}
          %dma_wait3A_151 = arith.constant 0 : i32
          %dma_wait3A_152 = tpu.memref_slice %arg11[%run_scoped3A, %dma_wait3A_151] : memref<4x128xi32, #tpu.memory_space<vmem>> -> memref<1x128xi32, #tpu.memory_space<vmem>>
          %dma_wait3A_153 = tpu.memref_squeeze %dma_wait3A_152 : memref<1x128xi32, #tpu.memory_space<vmem>> -> memref<128xi32, #tpu.memory_space<vmem>>
          %dma_wait3A_154 = arith.constant 0 : i32
          %dma_wait3A_155 = arith.constant 0 : i32
          %dma_wait3A_156 = tpu.memref_slice %arg16[%dma_wait3A_154, %dma_wait3A_155] : memref<10000x128xf32, #tpu.memory_space<vmem_shared>> -> memref<10000x128xf32, #tpu.memory_space<vmem_shared>>
          tpu.wait_indirect_dma semaphore(%run_scoped3A_144 : memref<!tpu.dma_semaphore, #tpu.memory_space<semaphore_mem>>) src(%arg12 : memref<128x128xf32, #tpu.memory_space<vmem>>) dst(%dma_wait3A_156 : memref<10000x128xf32, #tpu.memory_space<vmem_shared>>)
          tpu.yield
        }) : () -> ()
        %run_scoped3A_143 = arith.constant 0 : i32
        "tpu.region"() ({
          %run_scoped3A_144 = tpu.sem_alloc : memref<!tpu.dma_semaphore, #tpu.memory_space<semaphore_mem>>
          %dma_start3A_145 = arith.constant 0 : i32
          %dma_start3A_146 = tpu.memref_slice %arg11[%run_scoped3A_143, %dma_start3A_145] : memref<4x128xi32, #tpu.memory_space<vmem>> -> memref<1x128xi32, #tpu.memory_space<vmem>>
          %dma_start3A_147 = tpu.memref_squeeze %dma_start3A_146 : memref<1x128xi32, #tpu.memory_space<vmem>> -> memref<128xi32, #tpu.memory_space<vmem>>
          %dma_start3A_148 = arith.constant 0 : i32
          %dma_start3A_149 = arith.constant 0 : i32
          %dma_start3A_150 = tpu.memref_slice %arg17[%dma_start3A_148, %dma_start3A_149] : memref<10000x16xf32, #tpu.memory_space<vmem_shared>> -> memref<10000x16xf32, #tpu.memory_space<vmem_shared>>
          tpu.enqueue_indirect_dma source(%arg14 : memref<128x16xf32, #tpu.memory_space<vmem>>) target(%dma_start3A_150 : memref<10000x16xf32, #tpu.memory_space<vmem_shared>>) offsets(%dma_start3A_147 : memref<128xi32, #tpu.memory_space<vmem>>) semaphore(%run_scoped3A_144 : memref<!tpu.dma_semaphore, #tpu.memory_space<semaphore_mem>>) {add = true}
          %dma_wait3A_151 = arith.constant 0 : i32
          %dma_wait3A_152 = tpu.memref_slice %arg11[%run_scoped3A_143, %dma_wait3A_151] : memref<4x128xi32, #tpu.memory_space<vmem>> -> memref<1x128xi32, #tpu.memory_space<vmem>>
          %dma_wait3A_153 = tpu.memref_squeeze %dma_wait3A_152 : memref<1x128xi32, #tpu.memory_space<vmem>> -> memref<128xi32, #tpu.memory_space<vmem>>
          %dma_wait3A_154 = arith.constant 0 : i32
          %dma_wait3A_155 = arith.constant 0 : i32
          %dma_wait3A_156 = tpu.memref_slice %arg17[%dma_wait3A_154, %dma_wait3A_155] : memref<10000x16xf32, #tpu.memory_space<vmem_shared>> -> memref<10000x16xf32, #tpu.memory_space<vmem_shared>>
          tpu.wait_indirect_dma semaphore(%run_scoped3A_144 : memref<!tpu.dma_semaphore, #tpu.memory_space<semaphore_mem>>) src(%arg14 : memref<128x16xf32, #tpu.memory_space<vmem>>) dst(%dma_wait3A_156 : memref<10000x16xf32, #tpu.memory_space<vmem_shared>>)
          tpu.yield
        }) : () -> ()
      } else {
      }
    } else {
    }
    %barrier3A_100 = arith.constant 0 : index
    tpu.barrier barrier_id(%barrier3A_100)
    %mul3A_101 = arith.constant 625 : i32
    %mul3A_102 = arith.muli %arg1, %mul3A_101 : i32
    %mul3A_103 = arith.constant 10000 : i32
    %mul3A_104 = arith.muli %arg0, %mul3A_103 : i32
    %add3A_105 = arith.addi %mul3A_104, %mul3A_102 : i32
    "tpu.region"() ({
      %run_scoped3A = tpu.sem_alloc : memref<!tpu.dma_semaphore, #tpu.memory_space<semaphore_mem>>
      %dma_start3A = arith.constant 0 : i32
      %dma_start3A_109 = tpu.memref_slice %arg8[%add3A_105, %dma_start3A] : memref<20000x128xf32, #tpu.memory_space<hbm>> -> memref<625x128xf32, #tpu.memory_space<hbm>>
      %dma_start3A_110 = arith.constant 0 : i32
      %dma_start3A_111 = tpu.memref_slice %arg16[%mul3A_102, %dma_start3A_110] : memref<10000x128xf32, #tpu.memory_space<vmem_shared>> -> memref<625x128xf32, #tpu.memory_space<vmem_shared>>
      tpu.enqueue_dma source(%dma_start3A_111 : memref<625x128xf32, #tpu.memory_space<vmem_shared>>) target(%dma_start3A_109 : memref<625x128xf32, #tpu.memory_space<hbm>>) target_semaphore(%run_scoped3A : memref<!tpu.dma_semaphore, #tpu.memory_space<semaphore_mem>>)
      %dma_wait3A = arith.constant 0 : i32
      %dma_wait3A_112 = tpu.memref_slice %arg8[%add3A_105, %dma_wait3A] : memref<20000x128xf32, #tpu.memory_space<hbm>> -> memref<625x128xf32, #tpu.memory_space<hbm>>
      %dma_wait3A_113 = arith.constant 0 : i32
      %dma_wait3A_114 = tpu.memref_slice %arg16[%mul3A_102, %dma_wait3A_113] : memref<10000x128xf32, #tpu.memory_space<vmem_shared>> -> memref<625x128xf32, #tpu.memory_space<vmem_shared>>
      tpu.wait_dma2 semaphore(%run_scoped3A : memref<!tpu.dma_semaphore, #tpu.memory_space<semaphore_mem>>) src(%dma_wait3A_114 : memref<625x128xf32, #tpu.memory_space<vmem_shared>>) dst(%dma_wait3A_112 : memref<625x128xf32, #tpu.memory_space<hbm>>)
      tpu.yield
    }) : () -> ()
    %mul3A_106 = arith.constant 10000 : i32
    %mul3A_107 = arith.muli %arg0, %mul3A_106 : i32
    %add3A_108 = arith.addi %mul3A_107, %mul3A_102 : i32
    "tpu.region"() ({
      %run_scoped3A = tpu.sem_alloc : memref<!tpu.dma_semaphore, #tpu.memory_space<semaphore_mem>>
      %dma_start3A = arith.constant 0 : i32
      %dma_start3A_109 = tpu.memref_slice %arg9[%add3A_108, %dma_start3A] : memref<20000x16xf32, #tpu.memory_space<hbm>> -> memref<625x16xf32, #tpu.memory_space<hbm>>
      %dma_start3A_110 = arith.constant 0 : i32
      %dma_start3A_111 = tpu.memref_slice %arg17[%mul3A_102, %dma_start3A_110] : memref<10000x16xf32, #tpu.memory_space<vmem_shared>> -> memref<625x16xf32, #tpu.memory_space<vmem_shared>>
      tpu.enqueue_dma source(%dma_start3A_111 : memref<625x16xf32, #tpu.memory_space<vmem_shared>>) target(%dma_start3A_109 : memref<625x16xf32, #tpu.memory_space<hbm>>) target_semaphore(%run_scoped3A : memref<!tpu.dma_semaphore, #tpu.memory_space<semaphore_mem>>)
      %dma_wait3A = arith.constant 0 : i32
      %dma_wait3A_112 = tpu.memref_slice %arg9[%add3A_108, %dma_wait3A] : memref<20000x16xf32, #tpu.memory_space<hbm>> -> memref<625x16xf32, #tpu.memory_space<hbm>>
      %dma_wait3A_113 = arith.constant 0 : i32
      %dma_wait3A_114 = tpu.memref_slice %arg17[%mul3A_102, %dma_wait3A_113] : memref<10000x16xf32, #tpu.memory_space<vmem_shared>> -> memref<625x16xf32, #tpu.memory_space<vmem_shared>>
      tpu.wait_dma2 semaphore(%run_scoped3A : memref<!tpu.dma_semaphore, #tpu.memory_space<semaphore_mem>>) src(%dma_wait3A_114 : memref<625x16xf32, #tpu.memory_space<vmem_shared>>) dst(%dma_wait3A_112 : memref<625x16xf32, #tpu.memory_space<hbm>>)
      tpu.yield
    }) : () -> ()
    return
  }
}

</mosaic_0001>

<sc_bundles>
// kernel: _sc_aggregate.3.cloned.1.call-start
scs
__scs_entry_jumppad:
0x0: {  	(pc) =	sbr.rel $0x88, $3  }
0x1: {  	(tag) =	ssettag $0x0;
	lr =	simm.s32 $0x1  }
0x2: {  	[smem:$0x3F9B] =	sst lr;
	_ =	strace $0xD0000000  }
0x3: {  	_ = 	snop  }
0x4: {  	_ = 	snop  }
0x5: {  	_ = 	snop  }
0x6: {  	_ = 	snop  }
0x7: {  	_ = 	snop  }
__scs_overlays_trampoline_lowered:
0x8: {  	[smem:$0x3FAA] =	sst s0  }
0x9: {  	[smem:$0x3FAB] =	sst s1  }
0xa: {  	[smem:$0x3FAC] =	sst s2  }
0xb: {  	[smem:$0x3FAD] =	sst s3  }
0xc: {  	[smem:$0x3FAE] =	sst s4  }
0xd: {  	[smem:$0x3FAF] =	sst s5  }
0xe: {  	[smem:$0x3FB0] =	sst s6  }
0xf: {  	[smem:$0x3FB1] =	sst s7  }
0x10: {  	[smem:$0x3FB2] =	sst s8  }
0x11: {  	[smem:$0x3FB3] =	sst s9;
	s0 =	simm.s32 @!p0 $0x0  }
0x12: {  	s1 =	sld [smem:$0x3F99];
	s0 =	simm.s32 @p0 $0x1  }
0x13: {  	[smem:$0x3FB4] =	sst s0;
	s0 =	simm.s32 @!p1 $0x0  }
0x14: {  	s2 =	sld [smem:$0x3F98];
	s0 =	simm.s32 @p1 $0x1  }
0x15: {  	[smem:$0x3FB5] =	sst s0;
	s0 =	simm.s32 @!p2 $0x0  }
0x16: {  	s3 =	sld [smem:$0x3FDB];
	s0 =	simm.s32 @p2 $0x1  }
0x17: {  	s4 =	simm.s32 $0x1BF5;
	[smem:$0x3FB7] =	sst s0  }
0x18: {  	s0 =	sld [smem:$0x3F9A];
	_ =	swait.ge [sflag:s4], $0x0  }
0x19: {  	s7 =	sld [smem:$0x3F9B]  }
0x1a: {  	s8 =	sadd.s32 $0xFFFFE003, lr  }
0x1b: {  	s9 =	sadd.s32 $0xFFFFFEF7, lr;
	s5 =	simm.s32 $0xFFFFFFFF;
	p2 =	slt.u32 s8, $0xFFFFF086  }
0x1c: {  	p1 =	slt.u32 s9, $0xF7A;
	s5 =	simm.s32 @!p2 $0x0  }
0x1d: {  	s5 =	simm.s32 @p1 $0x1;
	p0 =	seq.s32 s7, s2  }
0x1e: {  	s7 =	smul.u32 @!p0 $0xF7A, s2;
	p2 =	seq.s32 @!p0 s5, $0x0  }
0x1f: {  	s9 =	smul.u32 $0xF7A, s1;
	s8 =	simm.s32 @!p0 $0x1BF5;
	p2 =	por !p2, p0  }
0x20: {  	[sflag:s8] =	ssyncset.s32 @!p0 $0xFFFFF086;
	s6 =	sadd.s32 @!p0 s3, s7;
	s7 =	simm.s32 @!p0 $0x108  }
0x21: {  	s3 =	sadd.s32 s3, s9;
	s6 =	sadd.s32 @!p0 $0x88, s6;
	s7 =	simm.s32 @p2 $0x1082  }
0x22: {  	[simem:s7], [sflag:s8] =	dma.local @!p0 [hbm:s6], $0xF7A  }
0x23: {  	s9 =	sor.u32 $0xD0000000, s2;
	s6 =	simm.s32 $0x108;
	_ =	swait.ge @!p0 [sflag:s8], $0x0  }
0x24: {  	s3 =	sadd.s32 $0x88, s3;
	s6 =	simm.s32 @!p1 $0x1082;
	[sflag:s4] =	ssyncset.s32 $0xFFFFF086  }
0x25: {  	[simem:s6], [sflag:s4] =	dma.local [hbm:s3], $0xF7A  }
0x26: {  	[smem:$0x3F9B] =	sst s1;
	(tag) =	ssettag s2;
	_ =	strace s9  }
0x27: {  	s1 =	sld [smem:$0x3FAB]  }
0x28: {  	s2 =	sld [smem:$0x3FAC]  }
0x29: {  	s4 =	sld [smem:$0x3FAE]  }
0x2a: {  	p0 =	seq.s32 s5, $0x0;
	s5 =	sld [smem:$0x3FAF]  }
0x2b: {  	s6 =	sld [smem:$0x3FB0]  }
0x2c: {  	s7 =	sld [smem:$0x3FB1]  }
0x2d: {  	s3 =	simm.s32 $0x108;
	s8 =	sld [smem:$0x3FB2]  }
0x2e: {  	s3 =	simm.s32 @!p0 $0x1082;
	s9 =	sld [smem:$0x3FB3]  }
0x2f: {  	lr =	sadd.s32 s0, s3;
	s0 =	sld [smem:$0x3FAA]  }
0x30: {  	s3 =	sld [smem:$0x3FAD]  }
0x31: {  	[smem:$0x3FB6] =	sst s10  }
0x32: {  	s10 =	sld [smem:$0x3FB4];
	_ =	sdelay $0x3  }
0x33: {  	p0 =	seq.s32 s10, $0x1;
	s10 =	sld [smem:$0x3FB6];
	_ =	sdelay $0x3  }
0x34: {  	[smem:$0x3FB6] =	sst s10  }
0x35: {  	s10 =	sld [smem:$0x3FB5];
	_ =	sdelay $0x3  }
0x36: {  	p1 =	seq.s32 s10, $0x1;
	s10 =	sld [smem:$0x3FB6];
	_ =	sdelay $0x3  }
0x37: {  	[smem:$0x3FB6] =	sst s10  }
0x38: {  	s10 =	sld [smem:$0x3FB7]  }
0x39: {  	_ = 	snop;
	(pc) =	sbr.ind lr, $3  }
0x3a: {  	_ = 	snop  }
0x3b: {  	_ = 	snop  }
0x3c: {  	p2 =	seq.s32 s10, $0x1;
	s10 =	sld [smem:$0x3FB6]  }
0x3d: {  	_ =	shalt  }
0x3e: {  	_ =	shalt  }
0x3f: {  	_ =	shalt  }
0x40: {  	_ =	shalt  }
0x41: {  	_ =	shalt  }
0x42: {  	_ =	shalt  }
0x43: {  	_ =	shalt  }
0x44: {  	_ =	shalt  }
0x45: {  	_ =	shalt  }
0x46: {  	_ =	shalt  }
0x47: {  	_ =	shalt  }
0x48: {  	_ =	shalt  }
0x49: {  	_ =	shalt  }
0x4a: {  	_ =	shalt  }
0x4b: {  	_ =	shalt  }
0x4c: {  	_ =	shalt  }
0x4d: {  	_ =	shalt  }
0x4e: {  	_ =	shalt  }
0x4f: {  	_ =	shalt  }
0x50: {  	_ =	shalt  }
0x51: {  	_ =	shalt  }
0x52: {  	_ =	shalt  }
0x53: {  	_ =	shalt  }
0x54: {  	_ =	shalt  }
0x55: {  	_ =	shalt  }
0x56: {  	_ =	shalt  }
0x57: {  	_ =	shalt  }
0x58: {  	_ =	shalt  }
0x59: {  	_ =	shalt  }
0x5a: {  	_ =	shalt  }
0x5b: {  	_ =	shalt  }
0x5c: {  	_ =	shalt  }
0x5d: {  	_ =	shalt  }
0x5e: {  	_ =	shalt  }
0x5f: {  	_ =	shalt  }
0x60: {  	_ =	shalt  }
0x61: {  	_ =	shalt  }
0x62: {  	_ =	shalt  }
0x63: {  	_ =	shalt  }
0x64: {  	_ =	shalt  }
0x65: {  	_ =	shalt  }
0x66: {  	_ =	shalt  }
0x67: {  	_ =	shalt  }
0x68: {  	_ =	shalt  }
0x69: {  	_ =	shalt  }
0x6a: {  	_ =	shalt  }
0x6b: {  	_ =	shalt  }
0x6c: {  	_ =	shalt  }
0x6d: {  	_ =	shalt  }
0x6e: {  	_ =	shalt  }
0x6f: {  	_ =	shalt  }
0x70: {  	_ =	shalt  }
0x71: {  	_ =	shalt  }
0x72: {  	_ =	shalt  }
0x73: {  	_ =	shalt  }
0x74: {  	_ =	shalt  }
0x75: {  	_ =	shalt  }
0x76: {  	_ =	shalt  }
0x77: {  	_ =	shalt  }
0x78: {  	_ =	shalt  }
0x79: {  	_ =	shalt  }
0x7a: {  	_ =	shalt  }
0x7b: {  	_ =	shalt  }
0x7c: {  	_ =	shalt  }
0x7d: {  	_ =	shalt  }
0x7e: {  	_ =	shalt  }
0x7f: {  	_ =	shalt  }
0x80: {  	_ =	shalt  }
0x81: {  	_ =	shalt  }
0x82: {  	_ =	shalt  }
0x83: {  	_ =	shalt  }
0x84: {  	_ =	shalt  }
0x85: {  	_ =	shalt  }
0x86: {  	_ =	shalt  }
0x87: {  	_ =	shalt  }
.Lfunc_end0:
.L_simem_size_0:
called_computation_lowered:
.L_overlay_start_0:
0x88: {  	s2 =	sld [smem:$0x3FD9]  }
0x89: {  	s3 =	sld [smem:$0x3FFE];
	_ =	sdelay $0x1  }
0x8a: {  	s1 =	srdreg.scid  }
0x8b: {  	s0 =	sand.u32 $0x1, s1  }
0x8c: {  	s15 =	sshll.u32 s0, $0xA;
	s2 =	sadd.s32 s3, s2  }
0x8d: {  	s2 =	sadd.s32 s2, s15  }
0x8e: {  	[smem:$0x3FC2] =	sst s2  }
0x8f: {  	_ = 	snop  }
0x90: {  	s2 =	sld [smem:$0x3FC9]  }
0x91: {  	s16 =	sld [smem:$0x3FC8]  }
0x92: {  	s4 =	sld [smem:$0x3FC7]  }
0x93: {  	s5 =	sld [smem:$0x3FD0]  }
0x94: {  	s6 =	sld [smem:$0x3FC6]  }
0x95: {  	s7 =	sld [smem:$0x3FC5]  }
0x96: {  	s9 =	simm.s32 $0xA;
	s10 =	simm.s32 $0x10;
	s8 =	sld [smem:$0x3FC4]  }
0x97: {  	[smem:s10], [sflag:s9] =	dma.local [hbm:s5], $0x1  }
0x98: {  	_ =	swait.eq [sflag:s9], $0x1  }
0x99: {  	[sflag:s9] =	ssyncset.done $0x0  }
0x9a: {  	s17 =	sld [smem:$0x10];
	[sflag:s9] =	ssyncadd.s32 $0xFFFFFFFF  }
0x9b: {  	s18 =	sld [smem:$0x11];
	(tm) =	ssettm $0x1  }
0x9c: {  	s19 =	sld [smem:$0x3FFB];
	_ =	sdelay $0x3  }
0x9d: {  	_ =	strace s19  }
0x9e: {  	s10 =	sld [smem:$0x3FFC];
	_ =	sdelay $0x3  }
0x9f: {  	_ =	strace s10  }
0xa0: {  	s10 =	sld [smem:$0x3FFD];
	_ =	sdelay $0x3  }
0xa1: {  	_ =	strace s10  }
0xa2: {  	_ =	strace $0x8FFFFFFF  }
0xa3: {  	s20 =	sld [smem:$0x3FDB];
	_ =	sdelay $0x1  }
0xa4: {  	s11 =	simm.s32 $_scs_section_size  }
0xa5: {  	s12 =	simm.s32 $_size__tile_overlayer_lowered;
	s13 =	simm.s32 $_tile_overlayer_lowered  }
0xa6: {  	s23 =	simm.s32 $0x1BFF;
	s22 =	sshll.u32 s13, $0x1;
	s10 =	sadd.s32 s11, s20  }
0xa7: {  	s14 =	simm.s32 $0x0;
	s21 =	sshll.u32 s12, $0x1;
	s12 =	sadd.s32 s22, s10  }
0xa8: {  	[timem:s14], [sflag:s23] =	dma.local [hbm:s12], s21  }
0xa9: {  	_ =	swait.ge [sflag:s23], s21  }
0xaa: {  	s11 =	ssub.s32 $0x0, s21;
	[sflag:s23] =	ssyncset.done $0x0  }
0xab: {  	[sflag:s23] =	ssyncadd.s32 s11;
	_ =	sdelay $0x1  }
0xac: {  	s24 =	simm.s32 $0x1B8B  }
0xad: {  	_ =	swait.ge [sflag:s24], $0x1  }
0xae: {  	[sflag:s24] =	ssyncset.done $0x0  }
0xaf: {  	s25 =	simm.s32 $0x1B8E;
	[sflag:s24] =	ssyncadd.s32 $0xFFFFFFFF  }
0xb0: {  	s26 =	simm.s32 $execute0_lowered;
	[smem:$0x3FD2] =	sst s25  }
0xb1: {  	s11 =	sshll.u32 s26, $0x1;
	_ =	strace $0x80000046;
	[dreg:$0x1] =	wrdreg $0xFFFFFFFF  }
0xb2: {  	s28 =	simm.s32 $_size_execute0_lowered;
	s10 =	sadd.s32 s10, s11;
	[dreg:$0x0] =	wrdreg $0x0  }
0xb3: {  	s11 =	sshll.u32 s28, $0x1;
	[dreg:$0x2] =	wrdreg s10  }
0xb4: {  	[dreg:$0x3] =	wrdreg s11  }
0xb5: {  	[dreg:$0x4] =	wrdreg $0xC0  }
0xb6: {  	_ =	task [dreg:s14], $0x5FFFF  }
0xb7: {  	[dreg:$0x1] =	wrdreg $0xFFFFFFFF  }
0xb8: {  	[dreg:$0x0] =	wrdreg $0x60  }
0xb9: {  	[dreg:$0x2] =	wrdreg s2  }
0xba: {  	[dreg:$0x3] =	wrdreg s16  }
0xbb: {  	[dreg:$0x4] =	wrdreg s4  }
0xbc: {  	[dreg:$0x5] =	wrdreg s6  }
0xbd: {  	[dreg:$0x6] =	wrdreg s7  }
0xbe: {  	[dreg:$0x7] =	wrdreg s8  }
0xbf: {  	[dreg:$0x8] =	wrdreg s17  }
0xc0: {  	[dreg:$0x9] =	wrdreg s18  }
0xc1: {  	[dreg:$0xa] =	wrdreg $0x94000  }
0xc2: {  	[dreg:$0xb] =	wrdreg $0x1CC800  }
0xc3: {  	[dreg:$0xc] =	wrdreg $0x9  }
0xc4: {  	_ =	task.clear_ibuf [dreg:s14], $0xDFFFF;
	_ =	strace $0x90000046  }
0xc5: {  	s29 =	simm.s32 $0x9;
	_ =	strace $0x80000048  }
0xc6: {  	_ =	swait.ge [sflag:s29], $0x1  }
0xc7: {  	[sflag:s29] =	ssyncadd.s32 $0xFFFFFFFF  }
0xc8: {  	_ =	strace $0x90000048  }
0xc9: {  	_ =	sfence  }
0xca: {  	s30 =	sld [smem:$0x0];
	_ =	sdelay $0x2  }
0xcb: {  	s31 =	sshll.u32 s1, $0xD;
	s1 =	sshrl.u32 s1, $0x2  }
0xcc: {  	s3 =	sand.u32 $0x4000, s31;
	s1 =	sadd.s32 s1, s30  }
0xcd: {  	s0 =	sor.u32 s3, s0;
	s1 =	sshll.u32 s1, $0x11  }
0xce: {  	s0 =	sor.u32 s1, s0  }
0xcf: {  	s0 =	sadd.s32 $0x8F2B, s0  }
0xd0: {  	[sflag:s0] =	ssyncadd.remote.s32 $0x1  }
0xd1: {  	_ =	sfence.sel $0xFFFF  }
0xd2: {  	[dreg:$0x0] =	wrdreg $0xFFFFFFFF;
	(pc) =	sbr.abs _section_cstart, $3  }
0xd3: {  	[dreg:$0x1] =	wrdreg $0xFFFFFFFF  }
0xd4: {  	_ =	task.clear_ibuf [dreg:s14], $0x2FFFF;
	_ =	strace $0x9FFFFFFF  }
0xd5: {  	(tm) =	ssettm $0x7FFFFFFF  }
tec
execute0_lowered:
.L_overlay_start_1:
0x0: {  	(tag) =	ssettag $0x1  }
0x1: {  	s0 =	rddreg [dreg:$0x0]  }
0x2: {  	s1 =	rddreg [dreg:$0x1]  }
0x3: {  	s17 =	rddreg [dreg:$0x2]  }
0x4: {  	s18 =	rddreg [dreg:$0x3]  }
0x5: {  	s19 =	rddreg [dreg:$0x4]  }
0x6: {  	s20 =	rddreg [dreg:$0x5]  }
0x7: {  	s2 =	rddreg [dreg:$0x6]  }
0x8: {  	s3 =	rddreg [dreg:$0x7]  }
0x9: {  	s8 =	rddreg [dreg:$0x8];
	s14 =	stileid.u32  }
0xa: {  	s9 =	rddreg [dreg:$0x9];
	s5 =	smul.u32 $0x4E200, s14  }
0xb: {  	s4 =	srdreg.scid;
	s7 =	smul.u32 $0x9C40, s14  }
0xc: {  	s10 =	simm.s32 $0x0;
	s28 =	simm.s32 $0x4;
	s13 =	smul.u32 $0x271, s14  }
0xd: {  	s4 =	sand.u32 $0x1, s4;
	[smem:$0x7FF] =	sst s10;
	s14 =	smul.u32 $0x9C4, s14  }
0xe: {  	s6 =	ssub.s32 $0x2, s4;
	_ =	strace $0x80000047;
	p0 =	seq.s32 s4, $0x1  }
0xf: {  	s11 =	sshrl.u32 s6, $0x1;
	s5 =	sshrl.u32 s5, $0x2;
	s7 =	sshrl.u32 s7, $0x2  }
0x10: {  	s16 =	sadd.s32 $0x80, s13;
	s22 =	sadd.s32 $0x100, s13;
	s15 =	sadd.s32 $0x9C4, s14  }
0x11: {  	s24 =	sshrl.u32 s14, $0x4;
	s26 =	sadd.s32 $0x180, s13;
	s6 =	ssub.s32 s6, s11  }
0x12: {  	s11 =	sadd.s32 s5, s8;
	s12 =	sadd.s32 s7, s9;
	s21 =	sshll.u32 s16, $0x7  }
0x13: {  	s5 =	sshll.u32 s16, $0x4;
	s23 =	sshll.u32 s22, $0x7;
	s7 =	sadd.s32 s21, s8  }
0x14: {  	s16 =	smul.u32 $0x2710, s4;
	s5 =	sadd.s32 s5, s9;
	[dreg:$0xb] =	wrdreg s7  }
0x15: {  	s15 =	sshrl.u32 s15, $0x4;
	s6 =	smax.u32 s6, $0x1;
	[dreg:$0xc] =	wrdreg s5  }
0x16: {  	s7 =	sadd.s32 s23, s8;
	s5 =	sshll.u32 s22, $0x4;
	s25 =	sadd.s32 s13, s16  }
0x17: {  	s13 =	sadd.s32 $0x200, s13;
	s16 =	sshll.u32 s26, $0x4;
	s23 =	sand.u32 $0xFFF0, s14  }
0x18: {  	[dreg:$0x1a] =	wrdreg s6;
	s6 =	simm.s32 $0x8C00;
	s14 =	simm.s32 $0x2  }
0x19: {  	[dreg:$0xd] =	wrdreg s7;
	s7 =	ssub.s32 s15, s24;
	s29 =	sshll.u32 s25, $0x4  }
0x1a: {  	s5 =	sadd.s32 s5, s9;
	s15 =	sshll.u32 s25, $0x1;
	s21 =	sshll.u32 s13, $0x7  }
0x1b: {  	s22 =	sadd.s32 s16, s9;
	s24 =	sadd.s32 s17, s23;
	s25 =	sadd.s32 s18, s23  }
0x1c: {  	s16 =	simm.s32 $0x280;
	s17 =	simm.s32 $0x180;
	s18 =	simm.s32 $0x300  }
0x1d: {  	[dreg:$0xe] =	wrdreg s5;
	s2 =	sadd.s32 s2, s29;
	s5 =	sshll.u32 s26, $0x7  }
0x1e: {  	s3 =	sadd.s32 s3, s15;
	[dreg:$0x12] =	wrdreg s22;
	p1 =	sne.s32 s7, $0x9D  }
0x1f: {  	p2 =	seq.s32 s7, $0x9D;
	s26 =	sadd.s32 $0x9C0, s23;
	[dreg:$0x15] =	wrdreg s24  }
0x20: {  	s29 =	sadd.s32 s19, s23;
	s30 =	sadd.s32 $0x40, s24;
	[dreg:$0x16] =	wrdreg s25  }
0x21: {  	s31 =	sadd.s32 $0x40, s25;
	s7 =	simm.s32 $0x4400;
	[dreg:$0xf] =	wrdreg s2  }
0x22: {  	s24 =	simm.s32 $0x80;
	s15 =	simm.s32 $0x100;
	[dreg:$0x11] =	wrdreg s3  }
0x23: {  	s19 =	simm.s32 $0x380;
	s2 =	sadd.s32 s5, s8;
	[dreg:$0x17] =	wrdreg s26  }
0x24: {  	s3 =	sadd.s32 s21, s8;
	[dreg:$0x18] =	wrdreg s29;
	s5 =	simm.s32 $0x3  }
.Ltmp0:
0x25: {  	[dreg:$0x10] =	wrdreg s2;
	s2 =	sshll.u32 s13, $0x4;
	(pc) =	sbr.rel .LBB2_1-.Ltmp0, $4  }
0x26: {  	s26 =	simm.s32 $0x1;
	[dreg:$0x13] =	wrdreg s3;
	s2 =	sadd.s32 s2, s9  }
0x27: {  	s3 =	simm.s32 $0x400;
	s13 =	simm.s32 $0x8400;
	[dreg:$0x14] =	wrdreg s2  }
0x28: {  	s2 =	sadd.s32 s20, s23;
	s23 =	simm.s32 $0x200;
	s20 =	simm.s32 $0x0  }
0x29: {  	v0 =	vimm.f32 $0.0e+00;
	v1 =	vimm.f32 $1.000000000e+00;
	[dreg:$0x19] =	wrdreg s2;
	s4 =	sadd.s32 $0x40, s2;
	s2 =	sadd.s32 $0x40, s29  }
.LBB2_12:
0x2a: {  	s29 =	rddreg [dreg:$0x17]  }
0x2b: {  	s25 =	sadd.s32 s25, s29  }
0x2c: {  	[tilespmem:s10], [sflag:$0x3] =	stream.linear.gather [hbm4b:s25+s10], $0x80, $0x38;
	[tilespmem:$0x1F390] =	vst v63  }
0x2d: {  	_ =	swait.ge [sflag:s5], $0x80  }
0x2e: {  	[sflag:s5] =	ssyncset.done $0x0  }
0x2f: {  	s22 =	sadd.s32 s22, s29;
	[sflag:s5] =	ssyncadd.s32 $0xFFFFFF80  }
0x30: {  	[tilespmem:s23], [sflag:$0x3] =	stream.linear.gather [hbm4b:s22+s10], $0x80, $0x38;
	[tilespmem:$0x1F390] =	vst v63  }
0x31: {  	_ =	swait.ge [sflag:s5], $0x80  }
0x32: {  	[sflag:s5] =	ssyncset.done $0x0  }
0x33: {  	[sflag:s5] =	ssyncadd.s32 $0xFFFFFF80  }
0x34: {  	[tilespmem:s3], [sflag:$0x1] =	stream.indirect.gather [hbm4b:s21+s24], $0x80, s10, s24, $0xb8;
	[tilespmem:$0x1F390] =	vst v63  }
0x35: {  	_ =	swait.ge [sflag:s26], $0x4000  }
0x36: {  	[sflag:s26] =	ssyncset.done $0x0  }
0x37: {  	[sflag:s26] =	ssyncadd.s32 $0xFFFFC000  }
0x38: {  	[spmem:s8] =	stream.indirect.scatter.add.f32 [tilespmem:s3], [sflag:$0x3], $0x80, s23, s24, $0xb8;
	[tilespmem:$0x1F390] =	vst v63  }
0x39: {  	_ =	swait.ge [sflag:s5], $0x4000  }
0x3a: {  	[sflag:s5] =	ssyncset.done $0x0  }
0x3b: {  	[sflag:s5] =	ssyncadd.s32 $0xFFFFC000  }
0x3c: {  	[spmem:s9] =	stream.indirect.scatter.add.f32 [tilespmem:s13], [sflag:$0x3], $0x10, s23, s24, $0xb8;
	[tilespmem:$0x1F390] =	vst v63  }
0x3d: {  	_ =	swait.ge [sflag:s5], $0x800  }
0x3e: {  	[sflag:s5] =	ssyncset.done $0x0  }
0x3f: {  	[sflag:s5] =	ssyncadd.s32 $0xFFFFF800  }
.LBB2_13:
0x40: {  	s21 =	stileid.u32  }
0x41: {  	[bflag:$0x0] =	sbarrier.arrive $0xFFFF;
	s21 =	sshll.u32 s21, $0x6  }
0x42: {  	s22 =	sshrl.u32 s11, $0x3;
	s25 =	rddreg [dreg:$0xf];
	s21 =	sor.u32 $0x1C03, s21  }
0x43: {  	[hbm:s25], [sflag:s21] =	dma.local [spmem:s22], $0x2710  }
0x44: {  	_ =	swait.ge [sflag:s5], $0x2710  }
0x45: {  	[sflag:s5] =	ssyncset.done $0x0  }
0x46: {  	s25 =	sshrl.u32 s12, $0x3;
	s29 =	rddreg [dreg:$0x11];
	[sflag:s5] =	ssyncadd.s32 $0xFFFFD8F0  }
0x47: {  	[hbm:s29], [sflag:s21] =	dma.local [spmem:s25], $0x4E2  }
0x48: {  	_ =	swait.ge [sflag:s5], $0x4E2  }
0x49: {  	s20 =	sadd.s32 $0x1, s20;
	s29 =	rddreg [dreg:$0x1a]  }
0x4a: {  	p3 =	sne.s32 s20, s29  }
.Ltmp1:
0x4b: {  	_ = 	snop;
	(pc) =	sbr.rel @!p3 .LBB2_14-.Ltmp1, $3  }
0x4c: {  	_ =	sdelay $0x1  }
0x4d: {  	[sflag:s5] =	ssyncset.done $0x0  }
0x4e: {  	[sflag:s5] =	ssyncadd.s32 $0xFFFFFB1E  }
.LBB2_1:
0x4f: {  	s21 =	simm.s32 $0x440  }
0x50: {  	s22 =	simm.s32 $0x4440;
	[tilespmem:s21+$0xFFFFFFC0] =	vst v0  }
0x51: {  	[tilespmem:s22+$0xFFFFFFC0] =	vst v0  }
0x52: {  	[tilespmem:s21+$0xFFFFFFD0] =	vst v0  }
0x53: {  	[tilespmem:s22+$0xFFFFFFD0] =	vst v0  }
0x54: {  	[tilespmem:s21+$0xFFFFFFE0] =	vst v0  }
0x55: {  	[tilespmem:s22+$0xFFFFFFE0] =	vst v0  }
0x56: {  	[tilespmem:s21+$0xFFFFFFF0] =	vst v0  }
0x57: {  	[tilespmem:s22+$0xFFFFFFF0] =	vst v0  }
0x58: {  	[tilespmem:s21+$0x0] =	vst v0  }
0x59: {  	[tilespmem:s22+$0x0] =	vst v0  }
0x5a: {  	[tilespmem:s21+$0x10] =	vst v0  }
0x5b: {  	[tilespmem:s22+$0x10] =	vst v0  }
0x5c: {  	[tilespmem:s21+$0x20] =	vst v0  }
0x5d: {  	[tilespmem:s22+$0x20] =	vst v0  }
0x5e: {  	[tilespmem:s21+$0x30] =	vst v0  }
0x5f: {  	s29 =	simm.s32 $0x0;
	s25 =	simm.s32 $0x40;
	[tilespmem:s22+$0x30] =	vst v0  }
.LBB2_2:
0x60: {  	p3 =	sne.s32 s25, $0x1FC0;
	[tilespmem:s29+$0x8400] =	vst v1  }
0x61: {  	s21 =	sadd.s32 $0x80, s21;
	[tilespmem:s29+$0x8C00] =	vst v0  }
0x62: {  	s22 =	sadd.s32 $0x80, s22;
	[tilespmem:s21+$0xFFFFFFC0] =	vst v0  }
0x63: {  	[tilespmem:s22+$0xFFFFFFC0] =	vst v0  }
0x64: {  	[tilespmem:s21+$0xFFFFFFD0] =	vst v0  }
0x65: {  	[tilespmem:s22+$0xFFFFFFD0] =	vst v0  }
0x66: {  	[tilespmem:s21+$0xFFFFFFE0] =	vst v0  }
0x67: {  	[tilespmem:s22+$0xFFFFFFE0] =	vst v0  }
0x68: {  	[tilespmem:s21+$0xFFFFFFF0] =	vst v0  }
0x69: {  	[tilespmem:s22+$0xFFFFFFF0] =	vst v0  }
0x6a: {  	[tilespmem:s21+$0x0] =	vst v0  }
0x6b: {  	[tilespmem:s22+$0x0] =	vst v0  }
0x6c: {  	[tilespmem:s21+$0x10] =	vst v0  }
.Ltmp2:
0x6d: {  	[tilespmem:s22+$0x10] =	vst v0;
	(pc) =	sbr.rel @p3 .LBB2_2-.Ltmp2, $4  }
0x6e: {  	[tilespmem:s21+$0x20] =	vst v0  }
0x6f: {  	[tilespmem:s22+$0x20] =	vst v0  }
0x70: {  	[tilespmem:s21+$0x30] =	vst v0  }
0x71: {  	s29 =	sshra.s32 s25, $0x2;
	s25 =	sadd.s32 $0x40, s25;
	[tilespmem:s22+$0x30] =	vst v0  }
0x72: {  	[tilespmem:s29+$0x8400] =	vst v1  }
0x73: {  	[tilespmem:s29+$0x8C00] =	vst v0  }
0x74: {  	[spmem:s11] =	stream.linear.scatter [tilespmem:s3], [sflag:$0x3], $0x4000, $0x38;
	[tilespmem:$0x1F390] =	vst v63  }
0x75: {  	_ =	swait.ge [sflag:s5], $0x4000  }
0x76: {  	[sflag:s5] =	ssyncset.done $0x0  }
0x77: {  	[sflag:s5] =	ssyncadd.s32 $0xFFFFC000  }
0x78: {  	[spmem:s12] =	stream.linear.scatter [tilespmem:s6], [sflag:$0x3], $0x800, $0x38;
	[tilespmem:$0x1F390] =	vst v63  }
0x79: {  	_ =	swait.ge [sflag:s5], $0x800  }
0x7a: {  	[sflag:s5] =	ssyncset.done $0x0  }
0x7b: {  	s21 =	rddreg [dreg:$0xb];
	[sflag:s5] =	ssyncadd.s32 $0xFFFFF800  }
0x7c: {  	[spmem:s21] =	stream.linear.scatter [tilespmem:s3], [sflag:$0x3], $0x4000, $0x38;
	[tilespmem:$0x1F390] =	vst v63  }
0x7d: {  	_ =	swait.ge [sflag:s5], $0x4000  }
0x7e: {  	[sflag:s5] =	ssyncset.done $0x0  }
0x7f: {  	s29 =	rddreg [dreg:$0xc];
	[sflag:s5] =	ssyncadd.s32 $0xFFFFC000  }
0x80: {  	[spmem:s29] =	stream.linear.scatter [tilespmem:s6], [sflag:$0x3], $0x800, $0x38;
	[tilespmem:$0x1F390] =	vst v63  }
0x81: {  	_ =	swait.ge [sflag:s5], $0x800  }
0x82: {  	[sflag:s5] =	ssyncset.done $0x0  }
0x83: {  	s22 =	rddreg [dreg:$0xd];
	[sflag:s5] =	ssyncadd.s32 $0xFFFFF800  }
0x84: {  	[spmem:s22] =	stream.linear.scatter [tilespmem:s3], [sflag:$0x3], $0x4000, $0x38;
	[tilespmem:$0x1F390] =	vst v63  }
0x85: {  	_ =	swait.ge [sflag:s5], $0x4000  }
0x86: {  	[sflag:s5] =	ssyncset.done $0x0  }
0x87: {  	s25 =	rddreg [dreg:$0xe];
	[sflag:s5] =	ssyncadd.s32 $0xFFFFC000  }
0x88: {  	[spmem:s25] =	stream.linear.scatter [tilespmem:s6], [sflag:$0x3], $0x800, $0x38;
	[tilespmem:$0x1F390] =	vst v63  }
0x89: {  	_ =	swait.ge [sflag:s5], $0x800  }
0x8a: {  	[sflag:s5] =	ssyncset.done $0x0  }
0x8b: {  	s29 =	rddreg [dreg:$0x10];
	[sflag:s5] =	ssyncadd.s32 $0xFFFFF800  }
0x8c: {  	[spmem:s29] =	stream.linear.scatter [tilespmem:s3], [sflag:$0x3], $0x4000, $0x38;
	[tilespmem:$0x1F390] =	vst v63  }
0x8d: {  	_ =	swait.ge [sflag:s5], $0x4000  }
0x8e: {  	[sflag:s5] =	ssyncset.done $0x0  }
0x8f: {  	s22 =	rddreg [dreg:$0x12];
	[sflag:s5] =	ssyncadd.s32 $0xFFFFC000  }
0x90: {  	[spmem:s22] =	stream.linear.scatter [tilespmem:s6], [sflag:$0x3], $0x800, $0x38;
	[tilespmem:$0x1F390] =	vst v63  }
0x91: {  	_ =	swait.ge [sflag:s5], $0x800  }
0x92: {  	[sflag:s5] =	ssyncset.done $0x0  }
0x93: {  	s25 =	rddreg [dreg:$0x13];
	[sflag:s5] =	ssyncadd.s32 $0xFFFFF800  }
0x94: {  	[spmem:s25] =	stream.linear.scatter [tilespmem:s7], [sflag:$0x3], $0x3880, $0x38;
	[tilespmem:$0x1F390] =	vst v63  }
0x95: {  	_ =	swait.ge [sflag:s5], $0x3880  }
0x96: {  	[sflag:s5] =	ssyncset.done $0x0  }
0x97: {  	s29 =	rddreg [dreg:$0x14];
	[sflag:s5] =	ssyncadd.s32 $0xFFFFC780  }
0x98: {  	[spmem:s29] =	stream.linear.scatter [tilespmem:s6], [sflag:$0x3], $0x710, $0x38;
	[tilespmem:$0x1F390] =	vst v63  }
.Ltmp3:
0x99: {  	_ =	swait.ge [sflag:s5], $0x710;
	(pc) =	sbr.rel @!p0 .LBB2_4-.Ltmp3, $4  }
0x9a: {  	[sflag:s5] =	ssyncset.done $0x0  }
0x9b: {  	[sflag:s5] =	ssyncadd.s32 $0xFFFFF8F0  }
0x9c: {  	[bflag:$0x0] =	sbarrier.arrive $0xFFFF  }
0x9d: {  	s21 =	simm.s32 $0x0  }
0x9e: {  	s22 =	rddreg [dreg:$0x18]  }
0x9f: {  	[tilespmem:s21], [sflag:$0x3] =	stream.linear.gather [hbm4b:s22+s21], $0x200, $0x38;
	[tilespmem:$0x1F390] =	vst v63  }
0xa0: {  	_ =	swait.ge [sflag:s5], $0x200  }
0xa1: {  	[sflag:s5] =	ssyncset.done $0x0  }
0xa2: {  	s29 =	rddreg [dreg:$0x19];
	[sflag:s5] =	ssyncadd.s32 $0xFFFFFE00  }
0xa3: {  	[tilespmem:s23], [sflag:$0x3] =	stream.linear.gather [hbm4b:s29+s21], $0x200, $0x38;
	[tilespmem:$0x1F390] =	vst v63  }
0xa4: {  	_ =	swait.ge [sflag:s5], $0x200  }
0xa5: {  	[sflag:s5] =	ssyncset.done $0x0  }
0xa6: {  	[sflag:s5] =	ssyncadd.s32 $0xFFFFFE00  }
0xa7: {  	[tilespmem:s3], [sflag:$0x1] =	stream.indirect.gather [hbm4b:s1+s24], $0x80, s21, s24, $0xb8;
	[tilespmem:$0x1F390] =	vst v63  }
.LBB2_9:
0xa8: {  	_ =	swait.ge [sflag:s26], $0x4000  }
0xa9: {  	[sflag:s26] =	ssyncset.done $0x0  }
0xaa: {  	[sflag:s26] =	ssyncadd.s32 $0xFFFFC000  }
0xab: {  	[tilespmem:s7], [sflag:$0x2] =	stream.indirect.gather [hbm4b:s1+s24], $0x80, s24, s24, $0xb8;
	[tilespmem:$0x1F390] =	vst v63  }
0xac: {  	_ = 	snop  }
0xad: {  	[spmem:s8] =	stream.indirect.scatter.add.f32 [tilespmem:s3], [sflag:$0x4], $0x80, s23, s24, $0xb8;
	[tilespmem:$0x1F390] =	vst v63  }
0xae: {  	_ =	swait.ge [sflag:s28], $0x4000  }
0xaf: {  	[sflag:s28] =	ssyncset.done $0x0  }
0xb0: {  	[sflag:s28] =	ssyncadd.s32 $0xFFFFC000  }
0xb1: {  	[spmem:s9] =	stream.indirect.scatter.add.f32 [tilespmem:s13], [sflag:$0x4], $0x10, s23, s24, $0xb8;
	[tilespmem:$0x1F390] =	vst v63  }
0xb2: {  	_ =	swait.ge [sflag:s28], $0x800  }
0xb3: {  	[sflag:s28] =	ssyncset.done $0x0  }
0xb4: {  	[sflag:s28] =	ssyncadd.s32 $0xFFFFF800  }
0xb5: {  	_ =	swait.ge [sflag:s14], $0x4000  }
0xb6: {  	[sflag:s14] =	ssyncset.done $0x0  }
0xb7: {  	[sflag:s14] =	ssyncadd.s32 $0xFFFFC000  }
0xb8: {  	[tilespmem:s3], [sflag:$0x1] =	stream.indirect.gather [hbm4b:s1+s24], $0x80, s15, s24, $0xb8;
	[tilespmem:$0x1F390] =	vst v63  }
0xb9: {  	_ = 	snop  }
0xba: {  	[spmem:s8] =	stream.indirect.scatter.add.f32 [tilespmem:s7], [sflag:$0x4], $0x80, s16, s24, $0xb8;
	[tilespmem:$0x1F390] =	vst v63  }
0xbb: {  	_ =	swait.ge [sflag:s28], $0x4000  }
0xbc: {  	[sflag:s28] =	ssyncset.done $0x0  }
0xbd: {  	[sflag:s28] =	ssyncadd.s32 $0xFFFFC000  }
0xbe: {  	[spmem:s9] =	stream.indirect.scatter.add.f32 [tilespmem:s13], [sflag:$0x4], $0x10, s16, s24, $0xb8;
	[tilespmem:$0x1F390] =	vst v63  }
0xbf: {  	_ =	swait.ge [sflag:s28], $0x800  }
0xc0: {  	[sflag:s28] =	ssyncset.done $0x0  }
0xc1: {  	[sflag:s28] =	ssyncadd.s32 $0xFFFFF800  }
0xc2: {  	_ =	swait.ge [sflag:s26], $0x4000  }
0xc3: {  	[sflag:s26] =	ssyncset.done $0x0  }
0xc4: {  	[sflag:s26] =	ssyncadd.s32 $0xFFFFC000  }
0xc5: {  	[tilespmem:s7], [sflag:$0x2] =	stream.indirect.gather [hbm4b:s1+s24], $0x80, s17, s24, $0xb8;
	[tilespmem:$0x1F390] =	vst v63  }
0xc6: {  	_ = 	snop  }
0xc7: {  	[spmem:s8] =	stream.indirect.scatter.add.f32 [tilespmem:s3], [sflag:$0x4], $0x80, s18, s24, $0xb8;
	[tilespmem:$0x1F390] =	vst v63  }
0xc8: {  	_ =	swait.ge [sflag:s28], $0x4000  }
0xc9: {  	[sflag:s28] =	ssyncset.done $0x0  }
0xca: {  	[sflag:s28] =	ssyncadd.s32 $0xFFFFC000  }
0xcb: {  	[spmem:s9] =	stream.indirect.scatter.add.f32 [tilespmem:s13], [sflag:$0x4], $0x10, s18, s24, $0xb8;
	[tilespmem:$0x1F390] =	vst v63  }
0xcc: {  	p3 =	seq.s32 s21, $0x980;
	_ =	swait.ge [sflag:s28], $0x800  }
.Ltmp4:
0xcd: {  	[sflag:s28] =	ssyncset.done $0x0;
	(pc) =	sbr.rel @p3 .LBB2_11-.Ltmp4, $4  }
0xce: {  	[sflag:s28] =	ssyncadd.s32 $0xFFFFF800  }
0xcf: {  	_ =	swait.ge [sflag:s14], $0x4000  }
0xd0: {  	[sflag:s14] =	ssyncset.done $0x0  }
0xd1: {  	[sflag:s14] =	ssyncadd.s32 $0xFFFFC000  }
0xd2: {  	s22 =	sadd.s32 s21, s2  }
0xd3: {  	[tilespmem:s10], [sflag:$0x4] =	stream.linear.gather [hbm4b:s22+s10], $0x200, $0x38;
	[tilespmem:$0x1F390] =	vst v63  }
0xd4: {  	_ =	swait.ge [sflag:s28], $0x200  }
0xd5: {  	[sflag:s28] =	ssyncset.done $0x0  }
0xd6: {  	[sflag:s28] =	ssyncadd.s32 $0xFFFFFE00  }
0xd7: {  	[tilespmem:s3], [sflag:$0x1] =	stream.indirect.gather [hbm4b:s1+s24], $0x80, s10, s24, $0xb8;
	[tilespmem:$0x1F390] =	vst v63  }
0xd8: {  	_ = 	snop  }
0xd9: {  	[spmem:s8] =	stream.indirect.scatter.add.f32 [tilespmem:s7], [sflag:$0x4], $0x80, s19, s24, $0xb8;
	[tilespmem:$0x1F390] =	vst v63  }
0xda: {  	_ =	swait.ge [sflag:s28], $0x4000  }
0xdb: {  	[sflag:s28] =	ssyncset.done $0x0  }
0xdc: {  	[sflag:s28] =	ssyncadd.s32 $0xFFFFC000  }
0xdd: {  	[spmem:s9] =	stream.indirect.scatter.add.f32 [tilespmem:s13], [sflag:$0x4], $0x10, s19, s24, $0xb8;
	[tilespmem:$0x1F390] =	vst v63  }
0xde: {  	_ =	swait.ge [sflag:s28], $0x800  }
0xdf: {  	[sflag:s28] =	ssyncset.done $0x0  }
.Ltmp5:
0xe0: {  	s29 =	sadd.s32 s21, s4;
	[sflag:s28] =	ssyncadd.s32 $0xFFFFF800;
	(pc) =	sbr.rel .LBB2_9-.Ltmp5, $4  }
0xe1: {  	[tilespmem:s23], [sflag:$0x3] =	stream.linear.gather [hbm4b:s29+s10], $0x200, $0x38;
	[tilespmem:$0x1F390] =	vst v63  }
0xe2: {  	_ =	swait.ge [sflag:s5], $0x200  }
0xe3: {  	[sflag:s5] =	ssyncset.done $0x0  }
0xe4: {  	s21 =	sadd.s32 $0x40, s21;
	[sflag:s5] =	ssyncadd.s32 $0xFFFFFE00  }
.LBB2_4:
0xe5: {  	s22 =	rddreg [dreg:$0x15]  }
0xe6: {  	[tilespmem:s21], [sflag:$0x3] =	stream.linear.gather [hbm4b:s22+s21], $0x200, $0x38;
	[tilespmem:$0x1F390] =	vst v63  }
0xe7: {  	_ =	swait.ge [sflag:s5], $0x200  }
0xe8: {  	[sflag:s5] =	ssyncset.done $0x0  }
0xe9: {  	s29 =	rddreg [dreg:$0x16];
	[sflag:s5] =	ssyncadd.s32 $0xFFFFFE00  }
0xea: {  	[tilespmem:s23], [sflag:$0x3] =	stream.linear.gather [hbm4b:s29+s21], $0x200, $0x38;
	[tilespmem:$0x1F390] =	vst v63  }
0xeb: {  	_ =	swait.ge [sflag:s5], $0x200  }
0xec: {  	[sflag:s5] =	ssyncset.done $0x0  }
0xed: {  	[sflag:s5] =	ssyncadd.s32 $0xFFFFFE00  }
0xee: {  	[tilespmem:s3], [sflag:$0x1] =	stream.indirect.gather [hbm4b:s0+s24], $0x80, s21, s24, $0xb8;
	[tilespmem:$0x1F390] =	vst v63  }
.LBB2_5:
0xef: {  	_ =	swait.ge [sflag:s26], $0x4000  }
0xf0: {  	[sflag:s26] =	ssyncset.done $0x0  }
0xf1: {  	[sflag:s26] =	ssyncadd.s32 $0xFFFFC000  }
0xf2: {  	[tilespmem:s7], [sflag:$0x2] =	stream.indirect.gather [hbm4b:s0+s24], $0x80, s24, s24, $0xb8;
	[tilespmem:$0x1F390] =	vst v63  }
0xf3: {  	_ = 	snop  }
0xf4: {  	[spmem:s8] =	stream.indirect.scatter.add.f32 [tilespmem:s3], [sflag:$0x4], $0x80, s23, s24, $0xb8;
	[tilespmem:$0x1F390] =	vst v63  }
0xf5: {  	_ =	swait.ge [sflag:s28], $0x4000  }
0xf6: {  	[sflag:s28] =	ssyncset.done $0x0  }
0xf7: {  	[sflag:s28] =	ssyncadd.s32 $0xFFFFC000  }
0xf8: {  	[spmem:s9] =	stream.indirect.scatter.add.f32 [tilespmem:s13], [sflag:$0x4], $0x10, s23, s24, $0xb8;
	[tilespmem:$0x1F390] =	vst v63  }
0xf9: {  	_ =	swait.ge [sflag:s28], $0x800  }
0xfa: {  	[sflag:s28] =	ssyncset.done $0x0  }
0xfb: {  	[sflag:s28] =	ssyncadd.s32 $0xFFFFF800  }
0xfc: {  	_ =	swait.ge [sflag:s14], $0x4000  }
0xfd: {  	[sflag:s14] =	ssyncset.done $0x0  }
0xfe: {  	[sflag:s14] =	ssyncadd.s32 $0xFFFFC000  }
0xff: {  	[tilespmem:s3], [sflag:$0x1] =	stream.indirect.gather [hbm4b:s0+s24], $0x80, s15, s24, $0xb8;
	[tilespmem:$0x1F390] =	vst v63  }
0x100: {  	_ = 	snop  }
0x101: {  	[spmem:s8] =	stream.indirect.scatter.add.f32 [tilespmem:s7], [sflag:$0x4], $0x80, s16, s24, $0xb8;
	[tilespmem:$0x1F390] =	vst v63  }
0x102: {  	_ =	swait.ge [sflag:s28], $0x4000  }
0x103: {  	[sflag:s28] =	ssyncset.done $0x0  }
0x104: {  	[sflag:s28] =	ssyncadd.s32 $0xFFFFC000  }
0x105: {  	[spmem:s9] =	stream.indirect.scatter.add.f32 [tilespmem:s13], [sflag:$0x4], $0x10, s16, s24, $0xb8;
	[tilespmem:$0x1F390] =	vst v63  }
0x106: {  	_ =	swait.ge [sflag:s28], $0x800  }
0x107: {  	[sflag:s28] =	ssyncset.done $0x0  }
0x108: {  	[sflag:s28] =	ssyncadd.s32 $0xFFFFF800  }
0x109: {  	_ =	swait.ge [sflag:s26], $0x4000  }
0x10a: {  	[sflag:s26] =	ssyncset.done $0x0  }
0x10b: {  	[sflag:s26] =	ssyncadd.s32 $0xFFFFC000  }
0x10c: {  	[tilespmem:s7], [sflag:$0x2] =	stream.indirect.gather [hbm4b:s0+s24], $0x80, s17, s24, $0xb8;
	[tilespmem:$0x1F390] =	vst v63  }
0x10d: {  	_ = 	snop  }
0x10e: {  	[spmem:s8] =	stream.indirect.scatter.add.f32 [tilespmem:s3], [sflag:$0x4], $0x80, s18, s24, $0xb8;
	[tilespmem:$0x1F390] =	vst v63  }
0x10f: {  	_ =	swait.ge [sflag:s28], $0x4000  }
0x110: {  	[sflag:s28] =	ssyncset.done $0x0  }
0x111: {  	[sflag:s28] =	ssyncadd.s32 $0xFFFFC000  }
0x112: {  	[spmem:s9] =	stream.indirect.scatter.add.f32 [tilespmem:s13], [sflag:$0x4], $0x10, s18, s24, $0xb8;
	[tilespmem:$0x1F390] =	vst v63  }
0x113: {  	p3 =	seq.s32 s21, $0x980;
	_ =	swait.ge [sflag:s28], $0x800  }
.Ltmp6:
0x114: {  	[sflag:s28] =	ssyncset.done $0x0;
	(pc) =	sbr.rel @p3 .LBB2_7-.Ltmp6, $4  }
0x115: {  	[sflag:s28] =	ssyncadd.s32 $0xFFFFF800  }
0x116: {  	_ =	swait.ge [sflag:s14], $0x4000  }
0x117: {  	[sflag:s14] =	ssyncset.done $0x0  }
0x118: {  	[sflag:s14] =	ssyncadd.s32 $0xFFFFC000  }
0x119: {  	s22 =	sadd.s32 s21, s30  }
0x11a: {  	[tilespmem:s10], [sflag:$0x4] =	stream.linear.gather [hbm4b:s22+s10], $0x200, $0x38;
	[tilespmem:$0x1F390] =	vst v63  }
0x11b: {  	_ =	swait.ge [sflag:s28], $0x200  }
0x11c: {  	[sflag:s28] =	ssyncset.done $0x0  }
0x11d: {  	[sflag:s28] =	ssyncadd.s32 $0xFFFFFE00  }
0x11e: {  	[tilespmem:s3], [sflag:$0x1] =	stream.indirect.gather [hbm4b:s0+s24], $0x80, s10, s24, $0xb8;
	[tilespmem:$0x1F390] =	vst v63  }
0x11f: {  	_ = 	snop  }
0x120: {  	[spmem:s8] =	stream.indirect.scatter.add.f32 [tilespmem:s7], [sflag:$0x4], $0x80, s19, s24, $0xb8;
	[tilespmem:$0x1F390] =	vst v63  }
0x121: {  	_ =	swait.ge [sflag:s28], $0x4000  }
0x122: {  	[sflag:s28] =	ssyncset.done $0x0  }
0x123: {  	[sflag:s28] =	ssyncadd.s32 $0xFFFFC000  }
0x124: {  	[spmem:s9] =	stream.indirect.scatter.add.f32 [tilespmem:s13], [sflag:$0x4], $0x10, s19, s24, $0xb8;
	[tilespmem:$0x1F390] =	vst v63  }
0x125: {  	_ =	swait.ge [sflag:s28], $0x800  }
0x126: {  	[sflag:s28] =	ssyncset.done $0x0  }
.Ltmp7:
0x127: {  	s29 =	sadd.s32 s21, s31;
	[sflag:s28] =	ssyncadd.s32 $0xFFFFF800;
	(pc) =	sbr.rel .LBB2_5-.Ltmp7, $4  }
0x128: {  	[tilespmem:s23], [sflag:$0x3] =	stream.linear.gather [hbm4b:s29+s10], $0x200, $0x38;
	[tilespmem:$0x1F390] =	vst v63  }
0x129: {  	_ =	swait.ge [sflag:s5], $0x200  }
0x12a: {  	[sflag:s5] =	ssyncset.done $0x0  }
0x12b: {  	s21 =	sadd.s32 $0x40, s21;
	[sflag:s5] =	ssyncadd.s32 $0xFFFFFE00  }
.LBB2_11:
0x12c: {  	[spmem:s8] =	stream.indirect.scatter.add.f32 [tilespmem:s7], [sflag:$0x4], $0x80, s19, s24, $0xb8;
	[tilespmem:$0x1F390] =	vst v63  }
0x12d: {  	_ =	swait.ge [sflag:s28], $0x4000  }
0x12e: {  	[sflag:s28] =	ssyncset.done $0x0  }
0x12f: {  	[sflag:s28] =	ssyncadd.s32 $0xFFFFC000  }
0x130: {  	[spmem:s9] =	stream.indirect.scatter.add.f32 [tilespmem:s13], [sflag:$0x4], $0x10, s19, s24, $0xb8;
	[tilespmem:$0x1F390] =	vst v63  }
.Ltmp8:
0x131: {  	_ =	swait.ge [sflag:s28], $0x800;
	(pc) =	sbr.rel @p1 .LBB2_13-.Ltmp8, $4  }
.Ltmp9:
0x132: {  	[sflag:s28] =	ssyncset.done $0x0;
	(pc) =	sbr.rel @!p1 .LBB2_12-.Ltmp9, $4  }
0x133: {  	[sflag:s28] =	ssyncadd.s32 $0xFFFFF800  }
0x134: {  	s25 =	rddreg [dreg:$0x4]  }
0x135: {  	s21 =	smov.u32 s1;
	s22 =	rddreg [dreg:$0x5]  }
0x136: {  	_ = 	snop  }
.LBB2_7:
0x137: {  	[spmem:s8] =	stream.indirect.scatter.add.f32 [tilespmem:s7], [sflag:$0x4], $0x80, s19, s24, $0xb8;
	[tilespmem:$0x1F390] =	vst v63  }
0x138: {  	_ =	swait.ge [sflag:s28], $0x4000  }
0x139: {  	[sflag:s28] =	ssyncset.done $0x0  }
0x13a: {  	[sflag:s28] =	ssyncadd.s32 $0xFFFFC000  }
0x13b: {  	[spmem:s9] =	stream.indirect.scatter.add.f32 [tilespmem:s13], [sflag:$0x4], $0x10, s19, s24, $0xb8;
	[tilespmem:$0x1F390] =	vst v63  }
.Ltmp10:
0x13c: {  	_ =	swait.ge [sflag:s28], $0x800;
	(pc) =	sbr.rel @p2 .LBB2_12-.Ltmp10, $4  }
.Ltmp11:
0x13d: {  	[sflag:s28] =	ssyncset.done $0x0;
	(pc) =	sbr.rel @!p2 .LBB2_13-.Ltmp11, $4  }
0x13e: {  	[sflag:s28] =	ssyncadd.s32 $0xFFFFF800  }
0x13f: {  	s25 =	rddreg [dreg:$0x2]  }
0x140: {  	s21 =	smov.u32 s0;
	s22 =	rddreg [dreg:$0x3]  }
0x141: {  	_ = 	snop  }
.LBB2_14:
0x142: {  	_ =	sfence.sel $0x180000  }
0x143: {  	[bflag:$0x0] =	sbarrier.arrive $0xFFFF  }
0x144: {  	_ =	strace $0x90000047  }
0x145: {  	s0 =	stileid.u32;
	[bflag:$0x2] =	sbarrier.arrive $0xFFFF  }
0x146: {  	p0 =	sne.s32 s0, $0x0;
	s0 =	rddreg [dreg:$0xa]  }
0x147: {  	s0 =	sadd.s32 @!p0 $0x100000, s0  }
0x148: {  	[sflag:s0] =	ssyncadd.tile.s32 @!p0 $0x1;
	_ =	shalt  }
.Lfunc_end2:
_tile_overlayer_lowered:
.L_overlay_start_2:
0x149: {  	(tag) =	ssettag $0x2  }
0x14a: {  	s0 =	rddreg [dreg:$0x0];
	s2 =	stileid.u32  }
0x14b: {  	s1 =	rddreg [dreg:$0x1];
	p0 =	sne.s32 s2, $0x0  }
0x14c: {  	s3 =	rddreg [dreg:$0x2];
	[bflag:$0x3] =	sbarrier.arrive $0xFFFF;
	s2 =	simm.s32 @!p0 $0x1C03  }
0x14d: {  	[timem:s3], [sflag:s2] =	dma.local @!p0 [hbm:s0], s1  }
0x14e: {  	s0 =	simm.s32 @!p0 $0x3  }
0x14f: {  	_ =	swait.ge @!p0 [sflag:s0], s1  }
0x150: {  	s1 =	ssub.s32 @!p0 $0x0, s1;
	[sflag:s0] =	ssyncset.done @!p0 $0x0  }
0x151: {  	[sflag:s0] =	ssyncadd.s32 @!p0 s1  }
0x152: {  	[bflag:$0x3] =	sbarrier.arrive $0xFFFF  }
0x153: {  	_ =	shalt  }

</sc_bundles>
